<compile_context>
chip_gen: v7x
topology: tpu7x:2x2x1
jax: 0.10.2.dev20260603
libtpu: 0.0.44.dev20260713+nightly
codegen_flags: <defaults>
</compile_context>

<pallas_src>
import functools

import jax
import jax.numpy as jnp
from jax import lax
from jax.experimental import pallas as pl
from jax.experimental.pallas import tpu as pltpu
from jax.experimental.pallas import tpu_sc as plsc

NC = 2
NS = 16
NW = NC * NS
L = 16

CHUNK = 4096


_F16_SCALE = 2.0 ** 112


def _pair_to_f32(lov):
    a = lax.shift_right_arithmetic(lax.shift_left(lov, 16), 3) & (-0x70002000)
    b = lax.shift_right_arithmetic(lov, 3) & (-0x70002000)
    return plsc.bitcast(a, jnp.float32), plsc.bitcast(b, jnp.float32)


def _sampler_kernel(Hs, Ws, n_per_w, u_hbm, v_hbm, lo_hbm, cp_hbm,
                    o0_hbm, o1_hbm, o2_hbm,
                    ubuf, vbuf, wxbufs, wybufs, ibufs, lobufs, cpbufs,
                    obufs, sems):
    wid = lax.axis_index("s") * NC + lax.axis_index("c")
    base_w = wid * n_per_w
    n_pairs = n_per_w // (2 * CHUNK)

    def stage_ab(base, s):
        pltpu.sync_copy(u_hbm.at[pl.ds(base, CHUNK)], ubuf)
        pltpu.sync_copy(v_hbm.at[pl.ds(base, CHUNK)], vbuf)

        def idx_body(t, _):
            sl = pl.ds(t * L, L)
            u = ubuf[sl]
            v = vbuf[sl]
            xs = u * jnp.float32(Ws)
            ys = v * jnp.float32(Hs)
            xi = xs.astype(jnp.int32)
            yi = ys.astype(jnp.int32)
            fx = xs - xi.astype(jnp.float32)
            fy = ys - yi.astype(jnp.float32)
            x0 = jnp.minimum(xi, Ws - 1)
            y0 = jnp.minimum(yi, Hs - 1)
            x1 = jnp.minimum(x0 + 1, Ws - 1)
            y1 = jnp.minimum(y0 + 1, Hs - 1)
            r0 = y0 * Ws
            r1 = y1 * Ws
            ibufs[s][0][sl] = r0 + x0
            ibufs[s][1][sl] = r0 + x1
            ibufs[s][2][sl] = r1 + x0
            ibufs[s][3][sl] = r1 + x1
            wxbufs[s][sl] = fx
            wybufs[s][sl] = fy
            return 0

        lax.fori_loop(0, CHUNK // L, idx_body, 0, unroll=2)

    def fire(s):
        for k in range(4):
            pltpu.async_copy(lo_hbm.at[ibufs[s][k]], lobufs[s][k], sems[s])
        for k in range(2):
            pltpu.async_copy(cp_hbm.at[ibufs[s][2 * k]], cpbufs[s][k], sems[s])

    def drain(s):
        for k in range(4):
            pltpu.make_async_copy(
                lo_hbm.at[ibufs[s][k]], lobufs[s][k], sems[s]).wait()
        for k in range(2):
            pltpu.make_async_copy(
                cp_hbm.at[ibufs[s][2 * k]], cpbufs[s][k], sems[s]).wait()

    def stage_de(base, s):
        def blend_body(t, _):
            sl = pl.ds(t * L, L)
            wx = wxbufs[s][sl]
            wy = wybufs[s][sl]
            tex = []
            for k in range(4):
                c0, c1 = _pair_to_f32(lobufs[s][k][sl])
                tex.append([c0, c1, None])
            for k in range(2):
                c2a, c2b = _pair_to_f32(cpbufs[s][k][sl])
                tex[2 * k][2] = c2a
                tex[2 * k + 1][2] = c2b
            for c in range(3):
                top = tex[0][c] + wx * (tex[1][c] - tex[0][c])
                bot = tex[2][c] + wx * (tex[3][c] - tex[2][c])
                blended = top + wy * (bot - top)
                obufs[c][sl] = blended * jnp.float32(_F16_SCALE)
            return 0

        lax.fori_loop(0, CHUNK // L, blend_body, 0, unroll=2)
        pltpu.sync_copy(obufs[0], o0_hbm.at[pl.ds(base, CHUNK)])
        pltpu.sync_copy(obufs[1], o1_hbm.at[pl.ds(base, CHUNK)])
        pltpu.sync_copy(obufs[2], o2_hbm.at[pl.ds(base, CHUNK)])

    stage_ab(base_w, 0)
    fire(0)

    def do_pair(gg, _):
        a = base_w + (2 * gg) * CHUNK
        b = a + CHUNK
        stage_ab(b, 1)
        fire(1)
        drain(0)
        stage_de(a, 0)

        @pl.when(gg < n_pairs - 1)
        def _():
            stage_ab(a + 2 * CHUNK, 0)
            fire(0)

        drain(1)
        stage_de(b, 1)
        return 0

    lax.fori_loop(0, n_pairs, do_pair, 0)


def kernel(x, data, resolution):
    del resolution
    Hs, Ws, C = data.shape
    N = x.shape[0]
    n_per_w = N // NW

    lo = lax.bitcast_convert_type(data[:, :, :2], jnp.int32).reshape(Hs * Ws)
    c2 = data[:, :, 2]
    c2n = jnp.concatenate([c2[:, 1:], c2[:, -1:]], axis=1)
    cp = lax.bitcast_convert_type(
        jnp.stack([c2, c2n], axis=-1), jnp.int32).reshape(Hs * Ws)
    u = x[:, 0]
    v = x[:, 1]

    mesh = plsc.VectorSubcoreMesh(core_axis_name="c", subcore_axis_name="s")
    sampler = pl.kernel(
        functools.partial(_sampler_kernel, Hs, Ws, n_per_w),
        out_type=[jax.ShapeDtypeStruct((N,), jnp.float32)] * 3,
        mesh=mesh,
        compiler_params=pltpu.CompilerParams(
            use_tc_tiling_on_sc=False, needs_layout_passes=False),
        scratch_types=[
            pltpu.VMEM((CHUNK,), jnp.float32),
            pltpu.VMEM((CHUNK,), jnp.float32),
            [pltpu.VMEM((CHUNK,), jnp.float32)] * 2,
            [pltpu.VMEM((CHUNK,), jnp.float32)] * 2,
            [[pltpu.VMEM((CHUNK,), jnp.int32)] * 4] * 2,
            [[pltpu.VMEM((CHUNK,), jnp.int32)] * 4] * 2,
            [[pltpu.VMEM((CHUNK,), jnp.int32)] * 2] * 2,
            [pltpu.VMEM((CHUNK,), jnp.float32)] * 3,
            [pltpu.SemaphoreType.DMA] * 2,
        ],
    )
    o0, o1, o2 = sampler(u, v, lo, cp)
    return jnp.stack([o0, o1, o2], axis=1)

# --- scband reference (transcript-rebuilt; emitter-appended) ---
"""Pipeline reference for scband-sampler2-d-27247272526493 (READ-ONLY COPY).

The authoritative reference and input builder live on the scoring server;
editing this copy changes nothing except your own understanding.
"""

import jax, jax.numpy as jnp
import numpy as np

H, W, C = 2048, 2048, 3
N = 1048576

def setup_inputs(seed: int = 0) -> dict:
    key = jax.random.key(seed)
    k1 = jax.random.fold_in(key, 1)
    k2 = jax.random.fold_in(key, 2)
    # 'data' buffer: fp16 image loaded by utils.read_image in the original module
    data = jax.random.normal(k1, (H, W, C), dtype=jnp.float32).astype(jnp.float16)
    # forward input: UV coords in [0, 1]
    x = jax.random.uniform(k2, (N, 2), dtype=jnp.float32)
    # persistent 'resolution' buffer = (width, height)
    resolution = jnp.array([W, H], dtype=jnp.float32)
    return {"x": x, "data": data, "resolution": resolution}

def reference(x, data, resolution):
    shape = data.shape  # (h, w, c)
    xs = x * resolution
    ind = xs.astype(jnp.int32)  # trunc toward zero for non-negative coords, matches .long()
    w = xs - ind.astype(jnp.float32)
    x0 = jnp.clip(ind[:, 0], 0, shape[1] - 1)
    y0 = jnp.clip(ind[:, 1], 0, shape[0] - 1)
    x1 = jnp.minimum(x0 + 1, shape[1] - 1)
    y1 = jnp.minimum(y0 + 1, shape[0] - 1)
    wx = w[:, 0:1]
    wy = w[:, 1:2]
    out = (data[y0, x0].astype(jnp.float32) * (1.0 - wx) * (1.0 - wy)
           + data[y0, x1].astype(jnp.float32) * wx * (1.0 - wy)
           + data[y1, x0].astype(jnp.float32) * (1.0 - wx) * wy
           + data[y1, x1].astype(jnp.float32) * wx * wy)
    return out

if __name__ == "__main__":
    import jax
    _d = setup_inputs()
    print(jax.jit(kernel)(*tuple(_d.values())))

</pallas_src>

<mosaic_0001>
#map = affine_map<(d0, d1) -> (0)>
module attributes {stable_mosaic.version = 14 : i64} {
  func.func @_sampler_kernel(%arg0: i32, %arg1: i32, %arg2: memref<1048576xf32, #tpu.memory_space<hbm>>, %arg3: memref<1048576xf32, #tpu.memory_space<hbm>>, %arg4: memref<4194304xi32, #tpu.memory_space<hbm>>, %arg5: memref<4194304xi32, #tpu.memory_space<hbm>>, %arg6: memref<1048576xf32, #tpu.memory_space<hbm>>, %arg7: memref<1048576xf32, #tpu.memory_space<hbm>>, %arg8: memref<1048576xf32, #tpu.memory_space<hbm>>, %arg9: memref<4096xf32, #tpu.memory_space<vmem>>, %arg10: memref<4096xf32, #tpu.memory_space<vmem>>, %arg11: memref<4096xf32, #tpu.memory_space<vmem>>, %arg12: memref<4096xf32, #tpu.memory_space<vmem>>, %arg13: memref<4096xf32, #tpu.memory_space<vmem>>, %arg14: memref<4096xf32, #tpu.memory_space<vmem>>, %arg15: memref<4096xi32, #tpu.memory_space<vmem>>, %arg16: memref<4096xi32, #tpu.memory_space<vmem>>, %arg17: memref<4096xi32, #tpu.memory_space<vmem>>, %arg18: memref<4096xi32, #tpu.memory_space<vmem>>, %arg19: memref<4096xi32, #tpu.memory_space<vmem>>, %arg20: memref<4096xi32, #tpu.memory_space<vmem>>, %arg21: memref<4096xi32, #tpu.memory_space<vmem>>, %arg22: memref<4096xi32, #tpu.memory_space<vmem>>, %arg23: memref<4096xi32, #tpu.memory_space<vmem>>, %arg24: memref<4096xi32, #tpu.memory_space<vmem>>, %arg25: memref<4096xi32, #tpu.memory_space<vmem>>, %arg26: memref<4096xi32, #tpu.memory_space<vmem>>, %arg27: memref<4096xi32, #tpu.memory_space<vmem>>, %arg28: memref<4096xi32, #tpu.memory_space<vmem>>, %arg29: memref<4096xi32, #tpu.memory_space<vmem>>, %arg30: memref<4096xi32, #tpu.memory_space<vmem>>, %arg31: memref<4096xi32, #tpu.memory_space<vmem>>, %arg32: memref<4096xi32, #tpu.memory_space<vmem>>, %arg33: memref<4096xi32, #tpu.memory_space<vmem>>, %arg34: memref<4096xi32, #tpu.memory_space<vmem>>, %arg35: memref<4096xf32, #tpu.memory_space<vmem>>, %arg36: memref<4096xf32, #tpu.memory_space<vmem>>, %arg37: memref<4096xf32, #tpu.memory_space<vmem>>, %arg38: memref<!tpu.dma_semaphore, #tpu.memory_space<semaphore_mem>>, %arg39: memref<!tpu.dma_semaphore, #tpu.memory_space<semaphore_mem>>) attributes {dimension_semantics = [#tpu.dimension_semantics<core_parallel>, #tpu.dimension_semantics<subcore_parallel>], iteration_bounds = array<i64: 2, 16>, scalar_prefetch = 0 : i64, scratch_operands = 31 : i64, tpu.core_type = #tpu.core_type<sc_vector_subcore>, window_params = [{transform_indices = #map}, {transform_indices = #map}, {transform_indices = #map}, {transform_indices = #map}, {transform_indices = #map}, {transform_indices = #map}, {transform_indices = #map}]} {
    %mul3A = arith.constant 2 : i32
    %mul3A_0 = arith.muli %arg1, %mul3A : i32
    %add3A = arith.addi %mul3A_0, %arg0 : i32
    %mul3A_1 = arith.constant 32768 : i32
    %mul3A_2 = arith.muli %add3A, %mul3A_1 : i32
    "tpu.region"() ({
      %run_scoped3A = tpu.sem_alloc : memref<!tpu.dma_semaphore, #tpu.memory_space<semaphore_mem>>
      %dma_start3A_27 = tpu.memref_slice %arg2[%mul3A_2] : memref<1048576xf32, #tpu.memory_space<hbm>> -> memref<4096xf32, #tpu.memory_space<hbm>>
      %dma_start3A_28 = tpu.memref_slice %arg2[%mul3A_2] : memref<1048576xf32, #tpu.memory_space<hbm>> -> memref<4096xf32, #tpu.memory_space<hbm>>
      tpu.enqueue_dma source(%dma_start3A_28 : memref<4096xf32, #tpu.memory_space<hbm>>) target(%arg9 : memref<4096xf32, #tpu.memory_space<vmem>>) target_semaphore(%run_scoped3A : memref<!tpu.dma_semaphore, #tpu.memory_space<semaphore_mem>>)
      %dma_wait3A = tpu.memref_slice %arg2[%mul3A_2] : memref<1048576xf32, #tpu.memory_space<hbm>> -> memref<4096xf32, #tpu.memory_space<hbm>>
      %dma_wait3A_29 = tpu.memref_slice %arg2[%mul3A_2] : memref<1048576xf32, #tpu.memory_space<hbm>> -> memref<4096xf32, #tpu.memory_space<hbm>>
      tpu.wait_dma2 semaphore(%run_scoped3A : memref<!tpu.dma_semaphore, #tpu.memory_space<semaphore_mem>>) src(%dma_wait3A_29 : memref<4096xf32, #tpu.memory_space<hbm>>) dst(%arg9 : memref<4096xf32, #tpu.memory_space<vmem>>)
      tpu.yield
    }) : () -> ()
    "tpu.region"() ({
      %run_scoped3A = tpu.sem_alloc : memref<!tpu.dma_semaphore, #tpu.memory_space<semaphore_mem>>
      %dma_start3A_27 = tpu.memref_slice %arg3[%mul3A_2] : memref<1048576xf32, #tpu.memory_space<hbm>> -> memref<4096xf32, #tpu.memory_space<hbm>>
      %dma_start3A_28 = tpu.memref_slice %arg3[%mul3A_2] : memref<1048576xf32, #tpu.memory_space<hbm>> -> memref<4096xf32, #tpu.memory_space<hbm>>
      tpu.enqueue_dma source(%dma_start3A_28 : memref<4096xf32, #tpu.memory_space<hbm>>) target(%arg10 : memref<4096xf32, #tpu.memory_space<vmem>>) target_semaphore(%run_scoped3A : memref<!tpu.dma_semaphore, #tpu.memory_space<semaphore_mem>>)
      %dma_wait3A = tpu.memref_slice %arg3[%mul3A_2] : memref<1048576xf32, #tpu.memory_space<hbm>> -> memref<4096xf32, #tpu.memory_space<hbm>>
      %dma_wait3A_29 = tpu.memref_slice %arg3[%mul3A_2] : memref<1048576xf32, #tpu.memory_space<hbm>> -> memref<4096xf32, #tpu.memory_space<hbm>>
      tpu.wait_dma2 semaphore(%run_scoped3A : memref<!tpu.dma_semaphore, #tpu.memory_space<semaphore_mem>>) src(%dma_wait3A_29 : memref<4096xf32, #tpu.memory_space<hbm>>) dst(%arg10 : memref<4096xf32, #tpu.memory_space<vmem>>)
      tpu.yield
    }) : () -> ()
    %scan3A = arith.constant 0 : i32
    %scan3A_3 = arith.constant 0 : i32
    %scan3A_4 = arith.constant 256 : i32
    %scan3A_5 = arith.addi %scan3A_3, %scan3A_4 : i32
    %scan3A_6 = arith.constant 2 : i32
    %scan3A_7 = scf.for %scan3A_27 = %scan3A_3 to %scan3A_5 step %scan3A_6 iter_args(%scan3A_28 = %scan3A) -> (i32)  : i32 {
      %mul3A_29 = arith.constant 16 : i32
      %mul3A_30 = arith.muli %scan3A_27, %mul3A_29 : i32
      %get3A = arith.index_cast %mul3A_30 : i32 to index
      %get3A_31 = tpu.vector_load %arg9[%get3A] {strides = array<i32>} : memref<4096xf32, #tpu.memory_space<vmem>>, vector<16xf32>,
      %get3A_32 = arith.index_cast %mul3A_30 : i32 to index
      %get3A_33 = tpu.vector_load %arg10[%get3A_32] {strides = array<i32>} : memref<4096xf32, #tpu.memory_space<vmem>>, vector<16xf32>,
      %mul3A_34 = arith.constant 2.048000e+03 : f32
      %mul3A_35 = vector.broadcast %mul3A_34 : f32 to vector<16xf32>
      %mul3A_36 = arith.mulf %get3A_31, %mul3A_35 : vector<16xf32>
      %mul3A_37 = arith.constant 2.048000e+03 : f32
      %mul3A_38 = vector.broadcast %mul3A_37 : f32 to vector<16xf32>
      %mul3A_39 = arith.mulf %get3A_33, %mul3A_38 : vector<16xf32>
      %convert_element_type3A = arith.fptosi %mul3A_36 : vector<16xf32> to vector<16xi32>
      %convert_element_type3A_40 = arith.fptosi %mul3A_39 : vector<16xf32> to vector<16xi32>
      %convert_element_type3A_41 = arith.sitofp %convert_element_type3A : vector<16xi32> to vector<16xf32>
      %sub3A = arith.subf %mul3A_36, %convert_element_type3A_41 : vector<16xf32>
      %convert_element_type3A_42 = arith.sitofp %convert_element_type3A_40 : vector<16xi32> to vector<16xf32>
      %sub3A_43 = arith.subf %mul3A_39, %convert_element_type3A_42 : vector<16xf32>
      %min3A = arith.constant 2047 : i32
      %min3A_44 = vector.broadcast %min3A : i32 to vector<16xi32>
      %min3A_45 = arith.minsi %convert_element_type3A, %min3A_44 : vector<16xi32>
      %min3A_46 = arith.constant 2047 : i32
      %min3A_47 = vector.broadcast %min3A_46 : i32 to vector<16xi32>
      %min3A_48 = arith.minsi %convert_element_type3A_40, %min3A_47 : vector<16xi32>
      %add3A_49 = arith.constant 1 : i32
      %add3A_50 = vector.broadcast %add3A_49 : i32 to vector<16xi32>
      %add3A_51 = arith.addi %min3A_45, %add3A_50 : vector<16xi32>
      %min3A_52 = arith.constant 2047 : i32
      %min3A_53 = vector.broadcast %min3A_52 : i32 to vector<16xi32>
      %min3A_54 = arith.minsi %add3A_51, %min3A_53 : vector<16xi32>
      %add3A_55 = arith.constant 1 : i32
      %add3A_56 = vector.broadcast %add3A_55 : i32 to vector<16xi32>
      %add3A_57 = arith.addi %min3A_48, %add3A_56 : vector<16xi32>
      %min3A_58 = arith.constant 2047 : i32
      %min3A_59 = vector.broadcast %min3A_58 : i32 to vector<16xi32>
      %min3A_60 = arith.minsi %add3A_57, %min3A_59 : vector<16xi32>
      %mul3A_61 = arith.constant 2048 : i32
      %mul3A_62 = vector.broadcast %mul3A_61 : i32 to vector<16xi32>
      %mul3A_63 = arith.muli %min3A_48, %mul3A_62 : vector<16xi32>
      %mul3A_64 = arith.constant 2048 : i32
      %mul3A_65 = vector.broadcast %mul3A_64 : i32 to vector<16xi32>
      %mul3A_66 = arith.muli %min3A_60, %mul3A_65 : vector<16xi32>
      %add3A_67 = arith.addi %mul3A_63, %min3A_45 : vector<16xi32>
      %swap3A = arith.index_cast %mul3A_30 : i32 to index
      %swap3A_68 = tpu.vector_load %arg15[%swap3A] {strides = array<i32>} : memref<4096xi32, #tpu.memory_space<vmem>>, vector<16xi32>,
      tpu.vector_store %arg15[%swap3A], %add3A_67 {strides = array<i32>} : memref<4096xi32, #tpu.memory_space<vmem>>, vector<16xi32>,
      %add3A_69 = arith.addi %mul3A_63, %min3A_54 : vector<16xi32>
      %swap3A_70 = arith.index_cast %mul3A_30 : i32 to index
      %swap3A_71 = tpu.vector_load %arg16[%swap3A_70] {strides = array<i32>} : memref<4096xi32, #tpu.memory_space<vmem>>, vector<16xi32>,
      tpu.vector_store %arg16[%swap3A_70], %add3A_69 {strides = array<i32>} : memref<4096xi32, #tpu.memory_space<vmem>>, vector<16xi32>,
      %add3A_72 = arith.addi %mul3A_66, %min3A_45 : vector<16xi32>
      %swap3A_73 = arith.index_cast %mul3A_30 : i32 to index
      %swap3A_74 = tpu.vector_load %arg17[%swap3A_73] {strides = array<i32>} : memref<4096xi32, #tpu.memory_space<vmem>>, vector<16xi32>,
      tpu.vector_store %arg17[%swap3A_73], %add3A_72 {strides = array<i32>} : memref<4096xi32, #tpu.memory_space<vmem>>, vector<16xi32>,
      %add3A_75 = arith.addi %mul3A_66, %min3A_54 : vector<16xi32>
      %swap3A_76 = arith.index_cast %mul3A_30 : i32 to index
      %swap3A_77 = tpu.vector_load %arg18[%swap3A_76] {strides = array<i32>} : memref<4096xi32, #tpu.memory_space<vmem>>, vector<16xi32>,
      tpu.vector_store %arg18[%swap3A_76], %add3A_75 {strides = array<i32>} : memref<4096xi32, #tpu.memory_space<vmem>>, vector<16xi32>,
      %swap3A_78 = arith.index_cast %mul3A_30 : i32 to index
      %swap3A_79 = tpu.vector_load %arg11[%swap3A_78] {strides = array<i32>} : memref<4096xf32, #tpu.memory_space<vmem>>, vector<16xf32>,
      tpu.vector_store %arg11[%swap3A_78], %sub3A {strides = array<i32>} : memref<4096xf32, #tpu.memory_space<vmem>>, vector<16xf32>,
      %swap3A_80 = arith.index_cast %mul3A_30 : i32 to index
      %swap3A_81 = tpu.vector_load %arg13[%swap3A_80] {strides = array<i32>} : memref<4096xf32, #tpu.memory_space<vmem>>, vector<16xf32>,
      tpu.vector_store %arg13[%swap3A_80], %sub3A_43 {strides = array<i32>} : memref<4096xf32, #tpu.memory_space<vmem>>, vector<16xf32>,
      %scan3A_82 = arith.constant 0 : i32
      %scan3A_83 = arith.constant 1 : i32
      %scan3A_84 = arith.addi %scan3A_27, %scan3A_83 : i32
      %mul3A_85 = arith.constant 16 : i32
      %mul3A_86 = arith.muli %scan3A_84, %mul3A_85 : i32
      %get3A_87 = arith.index_cast %mul3A_86 : i32 to index
      %get3A_88 = tpu.vector_load %arg9[%get3A_87] {strides = array<i32>} : memref<4096xf32, #tpu.memory_space<vmem>>, vector<16xf32>,
      %get3A_89 = arith.index_cast %mul3A_86 : i32 to index
      %get3A_90 = tpu.vector_load %arg10[%get3A_89] {strides = array<i32>} : memref<4096xf32, #tpu.memory_space<vmem>>, vector<16xf32>,
      %mul3A_91 = arith.constant 2.048000e+03 : f32
      %mul3A_92 = vector.broadcast %mul3A_91 : f32 to vector<16xf32>
      %mul3A_93 = arith.mulf %get3A_88, %mul3A_92 : vector<16xf32>
      %mul3A_94 = arith.constant 2.048000e+03 : f32
      %mul3A_95 = vector.broadcast %mul3A_94 : f32 to vector<16xf32>
      %mul3A_96 = arith.mulf %get3A_90, %mul3A_95 : vector<16xf32>
      %convert_element_type3A_97 = arith.fptosi %mul3A_93 : vector<16xf32> to vector<16xi32>
      %convert_element_type3A_98 = arith.fptosi %mul3A_96 : vector<16xf32> to vector<16xi32>
      %convert_element_type3A_99 = arith.sitofp %convert_element_type3A_97 : vector<16xi32> to vector<16xf32>
      %sub3A_100 = arith.subf %mul3A_93, %convert_element_type3A_99 : vector<16xf32>
      %convert_element_type3A_101 = arith.sitofp %convert_element_type3A_98 : vector<16xi32> to vector<16xf32>
      %sub3A_102 = arith.subf %mul3A_96, %convert_element_type3A_101 : vector<16xf32>
      %min3A_103 = arith.constant 2047 : i32
      %min3A_104 = vector.broadcast %min3A_103 : i32 to vector<16xi32>
      %min3A_105 = arith.minsi %convert_element_type3A_97, %min3A_104 : vector<16xi32>
      %min3A_106 = arith.constant 2047 : i32
      %min3A_107 = vector.broadcast %min3A_106 : i32 to vector<16xi32>
      %min3A_108 = arith.minsi %convert_element_type3A_98, %min3A_107 : vector<16xi32>
      %add3A_109 = arith.constant 1 : i32
      %add3A_110 = vector.broadcast %add3A_109 : i32 to vector<16xi32>
      %add3A_111 = arith.addi %min3A_105, %add3A_110 : vector<16xi32>
      %min3A_112 = arith.constant 2047 : i32
      %min3A_113 = vector.broadcast %min3A_112 : i32 to vector<16xi32>
      %min3A_114 = arith.minsi %add3A_111, %min3A_113 : vector<16xi32>
      %add3A_115 = arith.constant 1 : i32
      %add3A_116 = vector.broadcast %add3A_115 : i32 to vector<16xi32>
      %add3A_117 = arith.addi %min3A_108, %add3A_116 : vector<16xi32>
      %min3A_118 = arith.constant 2047 : i32
      %min3A_119 = vector.broadcast %min3A_118 : i32 to vector<16xi32>
      %min3A_120 = arith.minsi %add3A_117, %min3A_119 : vector<16xi32>
      %mul3A_121 = arith.constant 2048 : i32
      %mul3A_122 = vector.broadcast %mul3A_121 : i32 to vector<16xi32>
      %mul3A_123 = arith.muli %min3A_108, %mul3A_122 : vector<16xi32>
      %mul3A_124 = arith.constant 2048 : i32
      %mul3A_125 = vector.broadcast %mul3A_124 : i32 to vector<16xi32>
      %mul3A_126 = arith.muli %min3A_120, %mul3A_125 : vector<16xi32>
      %add3A_127 = arith.addi %mul3A_123, %min3A_105 : vector<16xi32>
      %swap3A_128 = arith.index_cast %mul3A_86 : i32 to index
      %swap3A_129 = tpu.vector_load %arg15[%swap3A_128] {strides = array<i32>} : memref<4096xi32, #tpu.memory_space<vmem>>, vector<16xi32>,
      tpu.vector_store %arg15[%swap3A_128], %add3A_127 {strides = array<i32>} : memref<4096xi32, #tpu.memory_space<vmem>>, vector<16xi32>,
      %add3A_130 = arith.addi %mul3A_123, %min3A_114 : vector<16xi32>
      %swap3A_131 = arith.index_cast %mul3A_86 : i32 to index
      %swap3A_132 = tpu.vector_load %arg16[%swap3A_131] {strides = array<i32>} : memref<4096xi32, #tpu.memory_space<vmem>>, vector<16xi32>,
      tpu.vector_store %arg16[%swap3A_131], %add3A_130 {strides = array<i32>} : memref<4096xi32, #tpu.memory_space<vmem>>, vector<16xi32>,
      %add3A_133 = arith.addi %mul3A_126, %min3A_105 : vector<16xi32>
      %swap3A_134 = arith.index_cast %mul3A_86 : i32 to index
      %swap3A_135 = tpu.vector_load %arg17[%swap3A_134] {strides = array<i32>} : memref<4096xi32, #tpu.memory_space<vmem>>, vector<16xi32>,
      tpu.vector_store %arg17[%swap3A_134], %add3A_133 {strides = array<i32>} : memref<4096xi32, #tpu.memory_space<vmem>>, vector<16xi32>,
      %add3A_136 = arith.addi %mul3A_126, %min3A_114 : vector<16xi32>
      %swap3A_137 = arith.index_cast %mul3A_86 : i32 to index
      %swap3A_138 = tpu.vector_load %arg18[%swap3A_137] {strides = array<i32>} : memref<4096xi32, #tpu.memory_space<vmem>>, vector<16xi32>,
      tpu.vector_store %arg18[%swap3A_137], %add3A_136 {strides = array<i32>} : memref<4096xi32, #tpu.memory_space<vmem>>, vector<16xi32>,
      %swap3A_139 = arith.index_cast %mul3A_86 : i32 to index
      %swap3A_140 = tpu.vector_load %arg11[%swap3A_139] {strides = array<i32>} : memref<4096xf32, #tpu.memory_space<vmem>>, vector<16xf32>,
      tpu.vector_store %arg11[%swap3A_139], %sub3A_100 {strides = array<i32>} : memref<4096xf32, #tpu.memory_space<vmem>>, vector<16xf32>,
      %swap3A_141 = arith.index_cast %mul3A_86 : i32 to index
      %swap3A_142 = tpu.vector_load %arg13[%swap3A_141] {strides = array<i32>} : memref<4096xf32, #tpu.memory_space<vmem>>, vector<16xf32>,
      tpu.vector_store %arg13[%swap3A_141], %sub3A_102 {strides = array<i32>} : memref<4096xf32, #tpu.memory_space<vmem>>, vector<16xf32>,
      %scan3A_143 = arith.constant 0 : i32
      scf.yield %scan3A_143 : i32
    }
    %scan3A_8 = arith.constant 256 : i32
    %dma_start3A = arith.constant 0 : i32
    %dma_start3A_9 = tpu.memref_slice %arg4[%dma_start3A] : memref<4194304xi32, #tpu.memory_space<hbm>> -> memref<4194304xi32, #tpu.memory_space<hbm>>
    tpu.enqueue_indirect_dma source(%dma_start3A_9 : memref<4194304xi32, #tpu.memory_space<hbm>>) target(%arg23 : memref<4096xi32, #tpu.memory_space<vmem>>) offsets(%arg15 : memref<4096xi32, #tpu.memory_space<vmem>>) semaphore(%arg38 : memref<!tpu.dma_semaphore, #tpu.memory_space<semaphore_mem>>)
    %dma_start3A_10 = arith.constant 0 : i32
    %dma_start3A_11 = tpu.memref_slice %arg4[%dma_start3A_10] : memref<4194304xi32, #tpu.memory_space<hbm>> -> memref<4194304xi32, #tpu.memory_space<hbm>>
    tpu.enqueue_indirect_dma source(%dma_start3A_11 : memref<4194304xi32, #tpu.memory_space<hbm>>) target(%arg24 : memref<4096xi32, #tpu.memory_space<vmem>>) offsets(%arg16 : memref<4096xi32, #tpu.memory_space<vmem>>) semaphore(%arg38 : memref<!tpu.dma_semaphore, #tpu.memory_space<semaphore_mem>>)
    %dma_start3A_12 = arith.constant 0 : i32
    %dma_start3A_13 = tpu.memref_slice %arg4[%dma_start3A_12] : memref<4194304xi32, #tpu.memory_space<hbm>> -> memref<4194304xi32, #tpu.memory_space<hbm>>
    tpu.enqueue_indirect_dma source(%dma_start3A_13 : memref<4194304xi32, #tpu.memory_space<hbm>>) target(%arg25 : memref<4096xi32, #tpu.memory_space<vmem>>) offsets(%arg17 : memref<4096xi32, #tpu.memory_space<vmem>>) semaphore(%arg38 : memref<!tpu.dma_semaphore, #tpu.memory_space<semaphore_mem>>)
    %dma_start3A_14 = arith.constant 0 : i32
    %dma_start3A_15 = tpu.memref_slice %arg4[%dma_start3A_14] : memref<4194304xi32, #tpu.memory_space<hbm>> -> memref<4194304xi32, #tpu.memory_space<hbm>>
    tpu.enqueue_indirect_dma source(%dma_start3A_15 : memref<4194304xi32, #tpu.memory_space<hbm>>) target(%arg26 : memref<4096xi32, #tpu.memory_space<vmem>>) offsets(%arg18 : memref<4096xi32, #tpu.memory_space<vmem>>) semaphore(%arg38 : memref<!tpu.dma_semaphore, #tpu.memory_space<semaphore_mem>>)
    %dma_start3A_16 = arith.constant 0 : i32
    %dma_start3A_17 = tpu.memref_slice %arg5[%dma_start3A_16] : memref<4194304xi32, #tpu.memory_space<hbm>> -> memref<4194304xi32, #tpu.memory_space<hbm>>
    tpu.enqueue_indirect_dma source(%dma_start3A_17 : memref<4194304xi32, #tpu.memory_space<hbm>>) target(%arg31 : memref<4096xi32, #tpu.memory_space<vmem>>) offsets(%arg15 : memref<4096xi32, #tpu.memory_space<vmem>>) semaphore(%arg38 : memref<!tpu.dma_semaphore, #tpu.memory_space<semaphore_mem>>)
    %dma_start3A_18 = arith.constant 0 : i32
    %dma_start3A_19 = tpu.memref_slice %arg5[%dma_start3A_18] : memref<4194304xi32, #tpu.memory_space<hbm>> -> memref<4194304xi32, #tpu.memory_space<hbm>>
    tpu.enqueue_indirect_dma source(%dma_start3A_19 : memref<4194304xi32, #tpu.memory_space<hbm>>) target(%arg32 : memref<4096xi32, #tpu.memory_space<vmem>>) offsets(%arg17 : memref<4096xi32, #tpu.memory_space<vmem>>) semaphore(%arg38 : memref<!tpu.dma_semaphore, #tpu.memory_space<semaphore_mem>>)
    %scan3A_20 = arith.constant 0 : i32
    %scan3A_21 = arith.constant 0 : i32
    %scan3A_22 = arith.constant 4 : i32
    %scan3A_23 = arith.addi %scan3A_21, %scan3A_22 : i32
    %scan3A_24 = arith.constant 1 : i32
    %scan3A_25 = scf.for %scan3A_27 = %scan3A_21 to %scan3A_23 step %scan3A_24 iter_args(%scan3A_28 = %scan3A_20) -> (i32)  : i32 {
      %mul3A_29 = arith.constant 2 : i32
      %mul3A_30 = arith.muli %mul3A_29, %scan3A_27 : i32
      %mul3A_31 = arith.constant 4096 : i32
      %mul3A_32 = arith.muli %mul3A_30, %mul3A_31 : i32
      %add3A_33 = arith.addi %mul3A_2, %mul3A_32 : i32
      %add3A_34 = arith.constant 4096 : i32
      %add3A_35 = arith.addi %add3A_33, %add3A_34 : i32
      "tpu.region"() ({
        %run_scoped3A = tpu.sem_alloc : memref<!tpu.dma_semaphore, #tpu.memory_space<semaphore_mem>>
        %dma_start3A_95 = tpu.memref_slice %arg2[%add3A_35] : memref<1048576xf32, #tpu.memory_space<hbm>> -> memref<4096xf32, #tpu.memory_space<hbm>>
        %dma_start3A_96 = tpu.memref_slice %arg2[%add3A_35] : memref<1048576xf32, #tpu.memory_space<hbm>> -> memref<4096xf32, #tpu.memory_space<hbm>>
        tpu.enqueue_dma source(%dma_start3A_96 : memref<4096xf32, #tpu.memory_space<hbm>>) target(%arg9 : memref<4096xf32, #tpu.memory_space<vmem>>) target_semaphore(%run_scoped3A : memref<!tpu.dma_semaphore, #tpu.memory_space<semaphore_mem>>)
        %dma_wait3A_97 = tpu.memref_slice %arg2[%add3A_35] : memref<1048576xf32, #tpu.memory_space<hbm>> -> memref<4096xf32, #tpu.memory_space<hbm>>
        %dma_wait3A_98 = tpu.memref_slice %arg2[%add3A_35] : memref<1048576xf32, #tpu.memory_space<hbm>> -> memref<4096xf32, #tpu.memory_space<hbm>>
        tpu.wait_dma2 semaphore(%run_scoped3A : memref<!tpu.dma_semaphore, #tpu.memory_space<semaphore_mem>>) src(%dma_wait3A_98 : memref<4096xf32, #tpu.memory_space<hbm>>) dst(%arg9 : memref<4096xf32, #tpu.memory_space<vmem>>)
        tpu.yield
      }) : () -> ()
      "tpu.region"() ({
        %run_scoped3A = tpu.sem_alloc : memref<!tpu.dma_semaphore, #tpu.memory_space<semaphore_mem>>
        %dma_start3A_95 = tpu.memref_slice %arg3[%add3A_35] : memref<1048576xf32, #tpu.memory_space<hbm>> -> memref<4096xf32, #tpu.memory_space<hbm>>
        %dma_start3A_96 = tpu.memref_slice %arg3[%add3A_35] : memref<1048576xf32, #tpu.memory_space<hbm>> -> memref<4096xf32, #tpu.memory_space<hbm>>
        tpu.enqueue_dma source(%dma_start3A_96 : memref<4096xf32, #tpu.memory_space<hbm>>) target(%arg10 : memref<4096xf32, #tpu.memory_space<vmem>>) target_semaphore(%run_scoped3A : memref<!tpu.dma_semaphore, #tpu.memory_space<semaphore_mem>>)
        %dma_wait3A_97 = tpu.memref_slice %arg3[%add3A_35] : memref<1048576xf32, #tpu.memory_space<hbm>> -> memref<4096xf32, #tpu.memory_space<hbm>>
        %dma_wait3A_98 = tpu.memref_slice %arg3[%add3A_35] : memref<1048576xf32, #tpu.memory_space<hbm>> -> memref<4096xf32, #tpu.memory_space<hbm>>
        tpu.wait_dma2 semaphore(%run_scoped3A : memref<!tpu.dma_semaphore, #tpu.memory_space<semaphore_mem>>) src(%dma_wait3A_98 : memref<4096xf32, #tpu.memory_space<hbm>>) dst(%arg10 : memref<4096xf32, #tpu.memory_space<vmem>>)
        tpu.yield
      }) : () -> ()
      %scan3A_36 = arith.constant 0 : i32
      %scan3A_37 = arith.constant 0 : i32
      %scan3A_38 = arith.constant 256 : i32
      %scan3A_39 = arith.addi %scan3A_37, %scan3A_38 : i32
      %scan3A_40 = arith.constant 2 : i32
      %scan3A_41 = scf.for %scan3A_95 = %scan3A_37 to %scan3A_39 step %scan3A_40 iter_args(%scan3A_96 = %scan3A_36) -> (i32)  : i32 {
        %mul3A_97 = arith.constant 16 : i32
        %mul3A_98 = arith.muli %scan3A_95, %mul3A_97 : i32
        %get3A = arith.index_cast %mul3A_98 : i32 to index
        %get3A_99 = tpu.vector_load %arg9[%get3A] {strides = array<i32>} : memref<4096xf32, #tpu.memory_space<vmem>>, vector<16xf32>,
        %get3A_100 = arith.index_cast %mul3A_98 : i32 to index
        %get3A_101 = tpu.vector_load %arg10[%get3A_100] {strides = array<i32>} : memref<4096xf32, #tpu.memory_space<vmem>>, vector<16xf32>,
        %mul3A_102 = arith.constant 2.048000e+03 : f32
        %mul3A_103 = vector.broadcast %mul3A_102 : f32 to vector<16xf32>
        %mul3A_104 = arith.mulf %get3A_99, %mul3A_103 : vector<16xf32>
        %mul3A_105 = arith.constant 2.048000e+03 : f32
        %mul3A_106 = vector.broadcast %mul3A_105 : f32 to vector<16xf32>
        %mul3A_107 = arith.mulf %get3A_101, %mul3A_106 : vector<16xf32>
        %convert_element_type3A_108 = arith.fptosi %mul3A_104 : vector<16xf32> to vector<16xi32>
        %convert_element_type3A_109 = arith.fptosi %mul3A_107 : vector<16xf32> to vector<16xi32>
        %convert_element_type3A_110 = arith.sitofp %convert_element_type3A_108 : vector<16xi32> to vector<16xf32>
        %sub3A = arith.subf %mul3A_104, %convert_element_type3A_110 : vector<16xf32>
        %convert_element_type3A_111 = arith.sitofp %convert_element_type3A_109 : vector<16xi32> to vector<16xf32>
        %sub3A_112 = arith.subf %mul3A_107, %convert_element_type3A_111 : vector<16xf32>
        %min3A = arith.constant 2047 : i32
        %min3A_113 = vector.broadcast %min3A : i32 to vector<16xi32>
        %min3A_114 = arith.minsi %convert_element_type3A_108, %min3A_113 : vector<16xi32>
        %min3A_115 = arith.constant 2047 : i32
        %min3A_116 = vector.broadcast %min3A_115 : i32 to vector<16xi32>
        %min3A_117 = arith.minsi %convert_element_type3A_109, %min3A_116 : vector<16xi32>
        %add3A_118 = arith.constant 1 : i32
        %add3A_119 = vector.broadcast %add3A_118 : i32 to vector<16xi32>
        %add3A_120 = arith.addi %min3A_114, %add3A_119 : vector<16xi32>
        %min3A_121 = arith.constant 2047 : i32
        %min3A_122 = vector.broadcast %min3A_121 : i32 to vector<16xi32>
        %min3A_123 = arith.minsi %add3A_120, %min3A_122 : vector<16xi32>
        %add3A_124 = arith.constant 1 : i32
        %add3A_125 = vector.broadcast %add3A_124 : i32 to vector<16xi32>
        %add3A_126 = arith.addi %min3A_117, %add3A_125 : vector<16xi32>
        %min3A_127 = arith.constant 2047 : i32
        %min3A_128 = vector.broadcast %min3A_127 : i32 to vector<16xi32>
        %min3A_129 = arith.minsi %add3A_126, %min3A_128 : vector<16xi32>
        %mul3A_130 = arith.constant 2048 : i32
        %mul3A_131 = vector.broadcast %mul3A_130 : i32 to vector<16xi32>
        %mul3A_132 = arith.muli %min3A_117, %mul3A_131 : vector<16xi32>
        %mul3A_133 = arith.constant 2048 : i32
        %mul3A_134 = vector.broadcast %mul3A_133 : i32 to vector<16xi32>
        %mul3A_135 = arith.muli %min3A_129, %mul3A_134 : vector<16xi32>
        %add3A_136 = arith.addi %mul3A_132, %min3A_114 : vector<16xi32>
        %swap3A = arith.index_cast %mul3A_98 : i32 to index
        %swap3A_137 = tpu.vector_load %arg19[%swap3A] {strides = array<i32>} : memref<4096xi32, #tpu.memory_space<vmem>>, vector<16xi32>,
        tpu.vector_store %arg19[%swap3A], %add3A_136 {strides = array<i32>} : memref<4096xi32, #tpu.memory_space<vmem>>, vector<16xi32>,
        %add3A_138 = arith.addi %mul3A_132, %min3A_123 : vector<16xi32>
        %swap3A_139 = arith.index_cast %mul3A_98 : i32 to index
        %swap3A_140 = tpu.vector_load %arg20[%swap3A_139] {strides = array<i32>} : memref<4096xi32, #tpu.memory_space<vmem>>, vector<16xi32>,
        tpu.vector_store %arg20[%swap3A_139], %add3A_138 {strides = array<i32>} : memref<4096xi32, #tpu.memory_space<vmem>>, vector<16xi32>,
        %add3A_141 = arith.addi %mul3A_135, %min3A_114 : vector<16xi32>
        %swap3A_142 = arith.index_cast %mul3A_98 : i32 to index
        %swap3A_143 = tpu.vector_load %arg21[%swap3A_142] {strides = array<i32>} : memref<4096xi32, #tpu.memory_space<vmem>>, vector<16xi32>,
        tpu.vector_store %arg21[%swap3A_142], %add3A_141 {strides = array<i32>} : memref<4096xi32, #tpu.memory_space<vmem>>, vector<16xi32>,
        %add3A_144 = arith.addi %mul3A_135, %min3A_123 : vector<16xi32>
        %swap3A_145 = arith.index_cast %mul3A_98 : i32 to index
        %swap3A_146 = tpu.vector_load %arg22[%swap3A_145] {strides = array<i32>} : memref<4096xi32, #tpu.memory_space<vmem>>, vector<16xi32>,
        tpu.vector_store %arg22[%swap3A_145], %add3A_144 {strides = array<i32>} : memref<4096xi32, #tpu.memory_space<vmem>>, vector<16xi32>,
        %swap3A_147 = arith.index_cast %mul3A_98 : i32 to index
        %swap3A_148 = tpu.vector_load %arg12[%swap3A_147] {strides = array<i32>} : memref<4096xf32, #tpu.memory_space<vmem>>, vector<16xf32>,
        tpu.vector_store %arg12[%swap3A_147], %sub3A {strides = array<i32>} : memref<4096xf32, #tpu.memory_space<vmem>>, vector<16xf32>,
        %swap3A_149 = arith.index_cast %mul3A_98 : i32 to index
        %swap3A_150 = tpu.vector_load %arg14[%swap3A_149] {strides = array<i32>} : memref<4096xf32, #tpu.memory_space<vmem>>, vector<16xf32>,
        tpu.vector_store %arg14[%swap3A_149], %sub3A_112 {strides = array<i32>} : memref<4096xf32, #tpu.memory_space<vmem>>, vector<16xf32>,
        %scan3A_151 = arith.constant 0 : i32
        %scan3A_152 = arith.constant 1 : i32
        %scan3A_153 = arith.addi %scan3A_95, %scan3A_152 : i32
        %mul3A_154 = arith.constant 16 : i32
        %mul3A_155 = arith.muli %scan3A_153, %mul3A_154 : i32
        %get3A_156 = arith.index_cast %mul3A_155 : i32 to index
        %get3A_157 = tpu.vector_load %arg9[%get3A_156] {strides = array<i32>} : memref<4096xf32, #tpu.memory_space<vmem>>, vector<16xf32>,
        %get3A_158 = arith.index_cast %mul3A_155 : i32 to index
        %get3A_159 = tpu.vector_load %arg10[%get3A_158] {strides = array<i32>} : memref<4096xf32, #tpu.memory_space<vmem>>, vector<16xf32>,
        %mul3A_160 = arith.constant 2.048000e+03 : f32
        %mul3A_161 = vector.broadcast %mul3A_160 : f32 to vector<16xf32>
        %mul3A_162 = arith.mulf %get3A_157, %mul3A_161 : vector<16xf32>
        %mul3A_163 = arith.constant 2.048000e+03 : f32
        %mul3A_164 = vector.broadcast %mul3A_163 : f32 to vector<16xf32>
        %mul3A_165 = arith.mulf %get3A_159, %mul3A_164 : vector<16xf32>
        %convert_element_type3A_166 = arith.fptosi %mul3A_162 : vector<16xf32> to vector<16xi32>
        %convert_element_type3A_167 = arith.fptosi %mul3A_165 : vector<16xf32> to vector<16xi32>
        %convert_element_type3A_168 = arith.sitofp %convert_element_type3A_166 : vector<16xi32> to vector<16xf32>
        %sub3A_169 = arith.subf %mul3A_162, %convert_element_type3A_168 : vector<16xf32>
        %convert_element_type3A_170 = arith.sitofp %convert_element_type3A_167 : vector<16xi32> to vector<16xf32>
        %sub3A_171 = arith.subf %mul3A_165, %convert_element_type3A_170 : vector<16xf32>
        %min3A_172 = arith.constant 2047 : i32
        %min3A_173 = vector.broadcast %min3A_172 : i32 to vector<16xi32>
        %min3A_174 = arith.minsi %convert_element_type3A_166, %min3A_173 : vector<16xi32>
        %min3A_175 = arith.constant 2047 : i32
        %min3A_176 = vector.broadcast %min3A_175 : i32 to vector<16xi32>
        %min3A_177 = arith.minsi %convert_element_type3A_167, %min3A_176 : vector<16xi32>
        %add3A_178 = arith.constant 1 : i32
        %add3A_179 = vector.broadcast %add3A_178 : i32 to vector<16xi32>
        %add3A_180 = arith.addi %min3A_174, %add3A_179 : vector<16xi32>
        %min3A_181 = arith.constant 2047 : i32
        %min3A_182 = vector.broadcast %min3A_181 : i32 to vector<16xi32>
        %min3A_183 = arith.minsi %add3A_180, %min3A_182 : vector<16xi32>
        %add3A_184 = arith.constant 1 : i32
        %add3A_185 = vector.broadcast %add3A_184 : i32 to vector<16xi32>
        %add3A_186 = arith.addi %min3A_177, %add3A_185 : vector<16xi32>
        %min3A_187 = arith.constant 2047 : i32
        %min3A_188 = vector.broadcast %min3A_187 : i32 to vector<16xi32>
        %min3A_189 = arith.minsi %add3A_186, %min3A_188 : vector<16xi32>
        %mul3A_190 = arith.constant 2048 : i32
        %mul3A_191 = vector.broadcast %mul3A_190 : i32 to vector<16xi32>
        %mul3A_192 = arith.muli %min3A_177, %mul3A_191 : vector<16xi32>
        %mul3A_193 = arith.constant 2048 : i32
        %mul3A_194 = vector.broadcast %mul3A_193 : i32 to vector<16xi32>
        %mul3A_195 = arith.muli %min3A_189, %mul3A_194 : vector<16xi32>
        %add3A_196 = arith.addi %mul3A_192, %min3A_174 : vector<16xi32>
        %swap3A_197 = arith.index_cast %mul3A_155 : i32 to index
        %swap3A_198 = tpu.vector_load %arg19[%swap3A_197] {strides = array<i32>} : memref<4096xi32, #tpu.memory_space<vmem>>, vector<16xi32>,
        tpu.vector_store %arg19[%swap3A_197], %add3A_196 {strides = array<i32>} : memref<4096xi32, #tpu.memory_space<vmem>>, vector<16xi32>,
        %add3A_199 = arith.addi %mul3A_192, %min3A_183 : vector<16xi32>
        %swap3A_200 = arith.index_cast %mul3A_155 : i32 to index
        %swap3A_201 = tpu.vector_load %arg20[%swap3A_200] {strides = array<i32>} : memref<4096xi32, #tpu.memory_space<vmem>>, vector<16xi32>,
        tpu.vector_store %arg20[%swap3A_200], %add3A_199 {strides = array<i32>} : memref<4096xi32, #tpu.memory_space<vmem>>, vector<16xi32>,
        %add3A_202 = arith.addi %mul3A_195, %min3A_174 : vector<16xi32>
        %swap3A_203 = arith.index_cast %mul3A_155 : i32 to index
        %swap3A_204 = tpu.vector_load %arg21[%swap3A_203] {strides = array<i32>} : memref<4096xi32, #tpu.memory_space<vmem>>, vector<16xi32>,
        tpu.vector_store %arg21[%swap3A_203], %add3A_202 {strides = array<i32>} : memref<4096xi32, #tpu.memory_space<vmem>>, vector<16xi32>,
        %add3A_205 = arith.addi %mul3A_195, %min3A_183 : vector<16xi32>
        %swap3A_206 = arith.index_cast %mul3A_155 : i32 to index
        %swap3A_207 = tpu.vector_load %arg22[%swap3A_206] {strides = array<i32>} : memref<4096xi32, #tpu.memory_space<vmem>>, vector<16xi32>,
        tpu.vector_store %arg22[%swap3A_206], %add3A_205 {strides = array<i32>} : memref<4096xi32, #tpu.memory_space<vmem>>, vector<16xi32>,
        %swap3A_208 = arith.index_cast %mul3A_155 : i32 to index
        %swap3A_209 = tpu.vector_load %arg12[%swap3A_208] {strides = array<i32>} : memref<4096xf32, #tpu.memory_space<vmem>>, vector<16xf32>,
        tpu.vector_store %arg12[%swap3A_208], %sub3A_169 {strides = array<i32>} : memref<4096xf32, #tpu.memory_space<vmem>>, vector<16xf32>,
        %swap3A_210 = arith.index_cast %mul3A_155 : i32 to index
        %swap3A_211 = tpu.vector_load %arg14[%swap3A_210] {strides = array<i32>} : memref<4096xf32, #tpu.memory_space<vmem>>, vector<16xf32>,
        tpu.vector_store %arg14[%swap3A_210], %sub3A_171 {strides = array<i32>} : memref<4096xf32, #tpu.memory_space<vmem>>, vector<16xf32>,
        %scan3A_212 = arith.constant 0 : i32
        scf.yield %scan3A_212 : i32
      }
      %scan3A_42 = arith.constant 256 : i32
      %dma_start3A_43 = arith.constant 0 : i32
      %dma_start3A_44 = tpu.memref_slice %arg4[%dma_start3A_43] : memref<4194304xi32, #tpu.memory_space<hbm>> -> memref<4194304xi32, #tpu.memory_space<hbm>>
      tpu.enqueue_indirect_dma source(%dma_start3A_44 : memref<4194304xi32, #tpu.memory_space<hbm>>) target(%arg27 : memref<4096xi32, #tpu.memory_space<vmem>>) offsets(%arg19 : memref<4096xi32, #tpu.memory_space<vmem>>) semaphore(%arg39 : memref<!tpu.dma_semaphore, #tpu.memory_space<semaphore_mem>>)
      %dma_start3A_45 = arith.constant 0 : i32
      %dma_start3A_46 = tpu.memref_slice %arg4[%dma_start3A_45] : memref<4194304xi32, #tpu.memory_space<hbm>> -> memref<4194304xi32, #tpu.memory_space<hbm>>
      tpu.enqueue_indirect_dma source(%dma_start3A_46 : memref<4194304xi32, #tpu.memory_space<hbm>>) target(%arg28 : memref<4096xi32, #tpu.memory_space<vmem>>) offsets(%arg20 : memref<4096xi32, #tpu.memory_space<vmem>>) semaphore(%arg39 : memref<!tpu.dma_semaphore, #tpu.memory_space<semaphore_mem>>)
      %dma_start3A_47 = arith.constant 0 : i32
      %dma_start3A_48 = tpu.memref_slice %arg4[%dma_start3A_47] : memref<4194304xi32, #tpu.memory_space<hbm>> -> memref<4194304xi32, #tpu.memory_space<hbm>>
      tpu.enqueue_indirect_dma source(%dma_start3A_48 : memref<4194304xi32, #tpu.memory_space<hbm>>) target(%arg29 : memref<4096xi32, #tpu.memory_space<vmem>>) offsets(%arg21 : memref<4096xi32, #tpu.memory_space<vmem>>) semaphore(%arg39 : memref<!tpu.dma_semaphore, #tpu.memory_space<semaphore_mem>>)
      %dma_start3A_49 = arith.constant 0 : i32
      %dma_start3A_50 = tpu.memref_slice %arg4[%dma_start3A_49] : memref<4194304xi32, #tpu.memory_space<hbm>> -> memref<4194304xi32, #tpu.memory_space<hbm>>
      tpu.enqueue_indirect_dma source(%dma_start3A_50 : memref<4194304xi32, #tpu.memory_space<hbm>>) target(%arg30 : memref<4096xi32, #tpu.memory_space<vmem>>) offsets(%arg22 : memref<4096xi32, #tpu.memory_space<vmem>>) semaphore(%arg39 : memref<!tpu.dma_semaphore, #tpu.memory_space<semaphore_mem>>)
      %dma_start3A_51 = arith.constant 0 : i32
      %dma_start3A_52 = tpu.memref_slice %arg5[%dma_start3A_51] : memref<4194304xi32, #tpu.memory_space<hbm>> -> memref<4194304xi32, #tpu.memory_space<hbm>>
      tpu.enqueue_indirect_dma source(%dma_start3A_52 : memref<4194304xi32, #tpu.memory_space<hbm>>) target(%arg33 : memref<4096xi32, #tpu.memory_space<vmem>>) offsets(%arg19 : memref<4096xi32, #tpu.memory_space<vmem>>) semaphore(%arg39 : memref<!tpu.dma_semaphore, #tpu.memory_space<semaphore_mem>>)
      %dma_start3A_53 = arith.constant 0 : i32
      %dma_start3A_54 = tpu.memref_slice %arg5[%dma_start3A_53] : memref<4194304xi32, #tpu.memory_space<hbm>> -> memref<4194304xi32, #tpu.memory_space<hbm>>
      tpu.enqueue_indirect_dma source(%dma_start3A_54 : memref<4194304xi32, #tpu.memory_space<hbm>>) target(%arg34 : memref<4096xi32, #tpu.memory_space<vmem>>) offsets(%arg21 : memref<4096xi32, #tpu.memory_space<vmem>>) semaphore(%arg39 : memref<!tpu.dma_semaphore, #tpu.memory_space<semaphore_mem>>)
      %dma_wait3A = arith.constant 0 : i32
      %dma_wait3A_55 = tpu.memref_slice %arg4[%dma_wait3A] : memref<4194304xi32, #tpu.memory_space<hbm>> -> memref<4194304xi32, #tpu.memory_space<hbm>>
      tpu.wait_indirect_dma semaphore(%arg38 : memref<!tpu.dma_semaphore, #tpu.memory_space<semaphore_mem>>) src(%dma_wait3A_55 : memref<4194304xi32, #tpu.memory_space<hbm>>) dst(%arg23 : memref<4096xi32, #tpu.memory_space<vmem>>)
      %dma_wait3A_56 = arith.constant 0 : i32
      %dma_wait3A_57 = tpu.memref_slice %arg4[%dma_wait3A_56] : memref<4194304xi32, #tpu.memory_space<hbm>> -> memref<4194304xi32, #tpu.memory_space<hbm>>
      tpu.wait_indirect_dma semaphore(%arg38 : memref<!tpu.dma_semaphore, #tpu.memory_space<semaphore_mem>>) src(%dma_wait3A_57 : memref<4194304xi32, #tpu.memory_space<hbm>>) dst(%arg24 : memref<4096xi32, #tpu.memory_space<vmem>>)
      %dma_wait3A_58 = arith.constant 0 : i32
      %dma_wait3A_59 = tpu.memref_slice %arg4[%dma_wait3A_58] : memref<4194304xi32, #tpu.memory_space<hbm>> -> memref<4194304xi32, #tpu.memory_space<hbm>>
      tpu.wait_indirect_dma semaphore(%arg38 : memref<!tpu.dma_semaphore, #tpu.memory_space<semaphore_mem>>) src(%dma_wait3A_59 : memref<4194304xi32, #tpu.memory_space<hbm>>) dst(%arg25 : memref<4096xi32, #tpu.memory_space<vmem>>)
      %dma_wait3A_60 = arith.constant 0 : i32
      %dma_wait3A_61 = tpu.memref_slice %arg4[%dma_wait3A_60] : memref<4194304xi32, #tpu.memory_space<hbm>> -> memref<4194304xi32, #tpu.memory_space<hbm>>
      tpu.wait_indirect_dma semaphore(%arg38 : memref<!tpu.dma_semaphore, #tpu.memory_space<semaphore_mem>>) src(%dma_wait3A_61 : memref<4194304xi32, #tpu.memory_space<hbm>>) dst(%arg26 : memref<4096xi32, #tpu.memory_space<vmem>>)
      %dma_wait3A_62 = arith.constant 0 : i32
      %dma_wait3A_63 = tpu.memref_slice %arg5[%dma_wait3A_62] : memref<4194304xi32, #tpu.memory_space<hbm>> -> memref<4194304xi32, #tpu.memory_space<hbm>>
      tpu.wait_indirect_dma semaphore(%arg38 : memref<!tpu.dma_semaphore, #tpu.memory_space<semaphore_mem>>) src(%dma_wait3A_63 : memref<4194304xi32, #tpu.memory_space<hbm>>) dst(%arg31 : memref<4096xi32, #tpu.memory_space<vmem>>)
      %dma_wait3A_64 = arith.constant 0 : i32
      %dma_wait3A_65 = tpu.memref_slice %arg5[%dma_wait3A_64] : memref<4194304xi32, #tpu.memory_space<hbm>> -> memref<4194304xi32, #tpu.memory_space<hbm>>
      tpu.wait_indirect_dma semaphore(%arg38 : memref<!tpu.dma_semaphore, #tpu.memory_space<semaphore_mem>>) src(%dma_wait3A_65 : memref<4194304xi32, #tpu.memory_space<hbm>>) dst(%arg32 : memref<4096xi32, #tpu.memory_space<vmem>>)
      %scan3A_66 = arith.constant 0 : i32
      %scan3A_67 = arith.constant 0 : i32
      %scan3A_68 = arith.constant 256 : i32
      %scan3A_69 = arith.addi %scan3A_67, %scan3A_68 : i32
      %scan3A_70 = arith.constant 2 : i32
      %scan3A_71 = scf.for %scan3A_95 = %scan3A_67 to %scan3A_69 step %scan3A_70 iter_args(%scan3A_96 = %scan3A_66) -> (i32)  : i32 {
        %mul3A_97 = arith.constant 16 : i32
        %mul3A_98 = arith.muli %scan3A_95, %mul3A_97 : i32
        %get3A = arith.index_cast %mul3A_98 : i32 to index
        %get3A_99 = tpu.vector_load %arg11[%get3A] {strides = array<i32>} : memref<4096xf32, #tpu.memory_space<vmem>>, vector<16xf32>,
        %get3A_100 = arith.index_cast %mul3A_98 : i32 to index
        %get3A_101 = tpu.vector_load %arg13[%get3A_100] {strides = array<i32>} : memref<4096xf32, #tpu.memory_space<vmem>>, vector<16xf32>,
        %get3A_102 = arith.index_cast %mul3A_98 : i32 to index
        %get3A_103 = tpu.vector_load %arg23[%get3A_102] {strides = array<i32>} : memref<4096xi32, #tpu.memory_space<vmem>>, vector<16xi32>,
        %shift_left3A = arith.constant 16 : i32
        %shift_left3A_104 = vector.broadcast %shift_left3A : i32 to vector<16xi32>
        %shift_left3A_105 = arith.shli %get3A_103, %shift_left3A_104 : vector<16xi32>
        %shift_right_arithmetic3A = arith.constant 3 : i32
        %shift_right_arithmetic3A_106 = vector.broadcast %shift_right_arithmetic3A : i32 to vector<16xi32>
        %shift_right_arithmetic3A_107 = arith.shrsi %shift_left3A_105, %shift_right_arithmetic3A_106 : vector<16xi32>
        %and3A = arith.constant -1879056384 : i32
        %and3A_108 = vector.broadcast %and3A : i32 to vector<16xi32>
        %and3A_109 = arith.andi %shift_right_arithmetic3A_107, %and3A_108 : vector<16xi32>
        %shift_right_arithmetic3A_110 = arith.constant 3 : i32
        %shift_right_arithmetic3A_111 = vector.broadcast %shift_right_arithmetic3A_110 : i32 to vector<16xi32>
        %shift_right_arithmetic3A_112 = arith.shrsi %get3A_103, %shift_right_arithmetic3A_111 : vector<16xi32>
        %and3A_113 = arith.constant -1879056384 : i32
        %and3A_114 = vector.broadcast %and3A_113 : i32 to vector<16xi32>
        %and3A_115 = arith.andi %shift_right_arithmetic3A_112, %and3A_114 : vector<16xi32>
        %bitcast3A = vector.bitcast %and3A_109 : vector<16xi32> to vector<16xf32>
        %bitcast3A_116 = vector.bitcast %and3A_115 : vector<16xi32> to vector<16xf32>
        %get3A_117 = arith.index_cast %mul3A_98 : i32 to index
        %get3A_118 = tpu.vector_load %arg24[%get3A_117] {strides = array<i32>} : memref<4096xi32, #tpu.memory_space<vmem>>, vector<16xi32>,
        %shift_left3A_119 = arith.constant 16 : i32
        %shift_left3A_120 = vector.broadcast %shift_left3A_119 : i32 to vector<16xi32>
        %shift_left3A_121 = arith.shli %get3A_118, %shift_left3A_120 : vector<16xi32>
        %shift_right_arithmetic3A_122 = arith.constant 3 : i32
        %shift_right_arithmetic3A_123 = vector.broadcast %shift_right_arithmetic3A_122 : i32 to vector<16xi32>
        %shift_right_arithmetic3A_124 = arith.shrsi %shift_left3A_121, %shift_right_arithmetic3A_123 : vector<16xi32>
        %and3A_125 = arith.constant -1879056384 : i32
        %and3A_126 = vector.broadcast %and3A_125 : i32 to vector<16xi32>
        %and3A_127 = arith.andi %shift_right_arithmetic3A_124, %and3A_126 : vector<16xi32>
        %shift_right_arithmetic3A_128 = arith.constant 3 : i32
        %shift_right_arithmetic3A_129 = vector.broadcast %shift_right_arithmetic3A_128 : i32 to vector<16xi32>
        %shift_right_arithmetic3A_130 = arith.shrsi %get3A_118, %shift_right_arithmetic3A_129 : vector<16xi32>
        %and3A_131 = arith.constant -1879056384 : i32
        %and3A_132 = vector.broadcast %and3A_131 : i32 to vector<16xi32>
        %and3A_133 = arith.andi %shift_right_arithmetic3A_130, %and3A_132 : vector<16xi32>
        %bitcast3A_134 = vector.bitcast %and3A_127 : vector<16xi32> to vector<16xf32>
        %bitcast3A_135 = vector.bitcast %and3A_133 : vector<16xi32> to vector<16xf32>
        %get3A_136 = arith.index_cast %mul3A_98 : i32 to index
        %get3A_137 = tpu.vector_load %arg25[%get3A_136] {strides = array<i32>} : memref<4096xi32, #tpu.memory_space<vmem>>, vector<16xi32>,
        %shift_left3A_138 = arith.constant 16 : i32
        %shift_left3A_139 = vector.broadcast %shift_left3A_138 : i32 to vector<16xi32>
        %shift_left3A_140 = arith.shli %get3A_137, %shift_left3A_139 : vector<16xi32>
        %shift_right_arithmetic3A_141 = arith.constant 3 : i32
        %shift_right_arithmetic3A_142 = vector.broadcast %shift_right_arithmetic3A_141 : i32 to vector<16xi32>
        %shift_right_arithmetic3A_143 = arith.shrsi %shift_left3A_140, %shift_right_arithmetic3A_142 : vector<16xi32>
        %and3A_144 = arith.constant -1879056384 : i32
        %and3A_145 = vector.broadcast %and3A_144 : i32 to vector<16xi32>
        %and3A_146 = arith.andi %shift_right_arithmetic3A_143, %and3A_145 : vector<16xi32>
        %shift_right_arithmetic3A_147 = arith.constant 3 : i32
        %shift_right_arithmetic3A_148 = vector.broadcast %shift_right_arithmetic3A_147 : i32 to vector<16xi32>
        %shift_right_arithmetic3A_149 = arith.shrsi %get3A_137, %shift_right_arithmetic3A_148 : vector<16xi32>
        %and3A_150 = arith.constant -1879056384 : i32
        %and3A_151 = vector.broadcast %and3A_150 : i32 to vector<16xi32>
        %and3A_152 = arith.andi %shift_right_arithmetic3A_149, %and3A_151 : vector<16xi32>
        %bitcast3A_153 = vector.bitcast %and3A_146 : vector<16xi32> to vector<16xf32>
        %bitcast3A_154 = vector.bitcast %and3A_152 : vector<16xi32> to vector<16xf32>
        %get3A_155 = arith.index_cast %mul3A_98 : i32 to index
        %get3A_156 = tpu.vector_load %arg26[%get3A_155] {strides = array<i32>} : memref<4096xi32, #tpu.memory_space<vmem>>, vector<16xi32>,
        %shift_left3A_157 = arith.constant 16 : i32
        %shift_left3A_158 = vector.broadcast %shift_left3A_157 : i32 to vector<16xi32>
        %shift_left3A_159 = arith.shli %get3A_156, %shift_left3A_158 : vector<16xi32>
        %shift_right_arithmetic3A_160 = arith.constant 3 : i32
        %shift_right_arithmetic3A_161 = vector.broadcast %shift_right_arithmetic3A_160 : i32 to vector<16xi32>
        %shift_right_arithmetic3A_162 = arith.shrsi %shift_left3A_159, %shift_right_arithmetic3A_161 : vector<16xi32>
        %and3A_163 = arith.constant -1879056384 : i32
        %and3A_164 = vector.broadcast %and3A_163 : i32 to vector<16xi32>
        %and3A_165 = arith.andi %shift_right_arithmetic3A_162, %and3A_164 : vector<16xi32>
        %shift_right_arithmetic3A_166 = arith.constant 3 : i32
        %shift_right_arithmetic3A_167 = vector.broadcast %shift_right_arithmetic3A_166 : i32 to vector<16xi32>
        %shift_right_arithmetic3A_168 = arith.shrsi %get3A_156, %shift_right_arithmetic3A_167 : vector<16xi32>
        %and3A_169 = arith.constant -1879056384 : i32
        %and3A_170 = vector.broadcast %and3A_169 : i32 to vector<16xi32>
        %and3A_171 = arith.andi %shift_right_arithmetic3A_168, %and3A_170 : vector<16xi32>
        %bitcast3A_172 = vector.bitcast %and3A_165 : vector<16xi32> to vector<16xf32>
        %bitcast3A_173 = vector.bitcast %and3A_171 : vector<16xi32> to vector<16xf32>
        %get3A_174 = arith.index_cast %mul3A_98 : i32 to index
        %get3A_175 = tpu.vector_load %arg31[%get3A_174] {strides = array<i32>} : memref<4096xi32, #tpu.memory_space<vmem>>, vector<16xi32>,
        %shift_left3A_176 = arith.constant 16 : i32
        %shift_left3A_177 = vector.broadcast %shift_left3A_176 : i32 to vector<16xi32>
        %shift_left3A_178 = arith.shli %get3A_175, %shift_left3A_177 : vector<16xi32>
        %shift_right_arithmetic3A_179 = arith.constant 3 : i32
        %shift_right_arithmetic3A_180 = vector.broadcast %shift_right_arithmetic3A_179 : i32 to vector<16xi32>
        %shift_right_arithmetic3A_181 = arith.shrsi %shift_left3A_178, %shift_right_arithmetic3A_180 : vector<16xi32>
        %and3A_182 = arith.constant -1879056384 : i32
        %and3A_183 = vector.broadcast %and3A_182 : i32 to vector<16xi32>
        %and3A_184 = arith.andi %shift_right_arithmetic3A_181, %and3A_183 : vector<16xi32>
        %shift_right_arithmetic3A_185 = arith.constant 3 : i32
        %shift_right_arithmetic3A_186 = vector.broadcast %shift_right_arithmetic3A_185 : i32 to vector<16xi32>
        %shift_right_arithmetic3A_187 = arith.shrsi %get3A_175, %shift_right_arithmetic3A_186 : vector<16xi32>
        %and3A_188 = arith.constant -1879056384 : i32
        %and3A_189 = vector.broadcast %and3A_188 : i32 to vector<16xi32>
        %and3A_190 = arith.andi %shift_right_arithmetic3A_187, %and3A_189 : vector<16xi32>
        %bitcast3A_191 = vector.bitcast %and3A_184 : vector<16xi32> to vector<16xf32>
        %bitcast3A_192 = vector.bitcast %and3A_190 : vector<16xi32> to vector<16xf32>
        %get3A_193 = arith.index_cast %mul3A_98 : i32 to index
        %get3A_194 = tpu.vector_load %arg32[%get3A_193] {strides = array<i32>} : memref<4096xi32, #tpu.memory_space<vmem>>, vector<16xi32>,
        %shift_left3A_195 = arith.constant 16 : i32
        %shift_left3A_196 = vector.broadcast %shift_left3A_195 : i32 to vector<16xi32>
        %shift_left3A_197 = arith.shli %get3A_194, %shift_left3A_196 : vector<16xi32>
        %shift_right_arithmetic3A_198 = arith.constant 3 : i32
        %shift_right_arithmetic3A_199 = vector.broadcast %shift_right_arithmetic3A_198 : i32 to vector<16xi32>
        %shift_right_arithmetic3A_200 = arith.shrsi %shift_left3A_197, %shift_right_arithmetic3A_199 : vector<16xi32>
        %and3A_201 = arith.constant -1879056384 : i32
        %and3A_202 = vector.broadcast %and3A_201 : i32 to vector<16xi32>
        %and3A_203 = arith.andi %shift_right_arithmetic3A_200, %and3A_202 : vector<16xi32>
        %shift_right_arithmetic3A_204 = arith.constant 3 : i32
        %shift_right_arithmetic3A_205 = vector.broadcast %shift_right_arithmetic3A_204 : i32 to vector<16xi32>
        %shift_right_arithmetic3A_206 = arith.shrsi %get3A_194, %shift_right_arithmetic3A_205 : vector<16xi32>
        %and3A_207 = arith.constant -1879056384 : i32
        %and3A_208 = vector.broadcast %and3A_207 : i32 to vector<16xi32>
        %and3A_209 = arith.andi %shift_right_arithmetic3A_206, %and3A_208 : vector<16xi32>
        %bitcast3A_210 = vector.bitcast %and3A_203 : vector<16xi32> to vector<16xf32>
        %bitcast3A_211 = vector.bitcast %and3A_209 : vector<16xi32> to vector<16xf32>
        %sub3A = arith.subf %bitcast3A_134, %bitcast3A : vector<16xf32>
        %mul3A_212 = arith.mulf %get3A_99, %sub3A : vector<16xf32>
        %add3A_213 = arith.addf %bitcast3A, %mul3A_212 : vector<16xf32>
        %sub3A_214 = arith.subf %bitcast3A_172, %bitcast3A_153 : vector<16xf32>
        %mul3A_215 = arith.mulf %get3A_99, %sub3A_214 : vector<16xf32>
        %add3A_216 = arith.addf %bitcast3A_153, %mul3A_215 : vector<16xf32>
        %sub3A_217 = arith.subf %add3A_216, %add3A_213 : vector<16xf32>
        %mul3A_218 = arith.mulf %get3A_101, %sub3A_217 : vector<16xf32>
        %add3A_219 = arith.addf %add3A_213, %mul3A_218 : vector<16xf32>
        %mul3A_220 = arith.constant 5.19229686E+33 : f32
        %mul3A_221 = vector.broadcast %mul3A_220 : f32 to vector<16xf32>
        %mul3A_222 = arith.mulf %add3A_219, %mul3A_221 : vector<16xf32>
        %swap3A = arith.index_cast %mul3A_98 : i32 to index
        %swap3A_223 = tpu.vector_load %arg35[%swap3A] {strides = array<i32>} : memref<4096xf32, #tpu.memory_space<vmem>>, vector<16xf32>,
        tpu.vector_store %arg35[%swap3A], %mul3A_222 {strides = array<i32>} : memref<4096xf32, #tpu.memory_space<vmem>>, vector<16xf32>,
        %sub3A_224 = arith.subf %bitcast3A_135, %bitcast3A_116 : vector<16xf32>
        %mul3A_225 = arith.mulf %get3A_99, %sub3A_224 : vector<16xf32>
        %add3A_226 = arith.addf %bitcast3A_116, %mul3A_225 : vector<16xf32>
        %sub3A_227 = arith.subf %bitcast3A_173, %bitcast3A_154 : vector<16xf32>
        %mul3A_228 = arith.mulf %get3A_99, %sub3A_227 : vector<16xf32>
        %add3A_229 = arith.addf %bitcast3A_154, %mul3A_228 : vector<16xf32>
        %sub3A_230 = arith.subf %add3A_229, %add3A_226 : vector<16xf32>
        %mul3A_231 = arith.mulf %get3A_101, %sub3A_230 : vector<16xf32>
        %add3A_232 = arith.addf %add3A_226, %mul3A_231 : vector<16xf32>
        %mul3A_233 = arith.constant 5.19229686E+33 : f32
        %mul3A_234 = vector.broadcast %mul3A_233 : f32 to vector<16xf32>
        %mul3A_235 = arith.mulf %add3A_232, %mul3A_234 : vector<16xf32>
        %swap3A_236 = arith.index_cast %mul3A_98 : i32 to index
        %swap3A_237 = tpu.vector_load %arg36[%swap3A_236] {strides = array<i32>} : memref<4096xf32, #tpu.memory_space<vmem>>, vector<16xf32>,
        tpu.vector_store %arg36[%swap3A_236], %mul3A_235 {strides = array<i32>} : memref<4096xf32, #tpu.memory_space<vmem>>, vector<16xf32>,
        %sub3A_238 = arith.subf %bitcast3A_192, %bitcast3A_191 : vector<16xf32>
        %mul3A_239 = arith.mulf %get3A_99, %sub3A_238 : vector<16xf32>
        %add3A_240 = arith.addf %bitcast3A_191, %mul3A_239 : vector<16xf32>
        %sub3A_241 = arith.subf %bitcast3A_211, %bitcast3A_210 : vector<16xf32>
        %mul3A_242 = arith.mulf %get3A_99, %sub3A_241 : vector<16xf32>
        %add3A_243 = arith.addf %bitcast3A_210, %mul3A_242 : vector<16xf32>
        %sub3A_244 = arith.subf %add3A_243, %add3A_240 : vector<16xf32>
        %mul3A_245 = arith.mulf %get3A_101, %sub3A_244 : vector<16xf32>
        %add3A_246 = arith.addf %add3A_240, %mul3A_245 : vector<16xf32>
        %mul3A_247 = arith.constant 5.19229686E+33 : f32
        %mul3A_248 = vector.broadcast %mul3A_247 : f32 to vector<16xf32>
        %mul3A_249 = arith.mulf %add3A_246, %mul3A_248 : vector<16xf32>
        %swap3A_250 = arith.index_cast %mul3A_98 : i32 to index
        %swap3A_251 = tpu.vector_load %arg37[%swap3A_250] {strides = array<i32>} : memref<4096xf32, #tpu.memory_space<vmem>>, vector<16xf32>,
        tpu.vector_store %arg37[%swap3A_250], %mul3A_249 {strides = array<i32>} : memref<4096xf32, #tpu.memory_space<vmem>>, vector<16xf32>,
        %scan3A_252 = arith.constant 0 : i32
        %scan3A_253 = arith.constant 1 : i32
        %scan3A_254 = arith.addi %scan3A_95, %scan3A_253 : i32
        %mul3A_255 = arith.constant 16 : i32
        %mul3A_256 = arith.muli %scan3A_254, %mul3A_255 : i32
        %get3A_257 = arith.index_cast %mul3A_256 : i32 to index
        %get3A_258 = tpu.vector_load %arg11[%get3A_257] {strides = array<i32>} : memref<4096xf32, #tpu.memory_space<vmem>>, vector<16xf32>,
        %get3A_259 = arith.index_cast %mul3A_256 : i32 to index
        %get3A_260 = tpu.vector_load %arg13[%get3A_259] {strides = array<i32>} : memref<4096xf32, #tpu.memory_space<vmem>>, vector<16xf32>,
        %get3A_261 = arith.index_cast %mul3A_256 : i32 to index
        %get3A_262 = tpu.vector_load %arg23[%get3A_261] {strides = array<i32>} : memref<4096xi32, #tpu.memory_space<vmem>>, vector<16xi32>,
        %shift_left3A_263 = arith.constant 16 : i32
        %shift_left3A_264 = vector.broadcast %shift_left3A_263 : i32 to vector<16xi32>
        %shift_left3A_265 = arith.shli %get3A_262, %shift_left3A_264 : vector<16xi32>
        %shift_right_arithmetic3A_266 = arith.constant 3 : i32
        %shift_right_arithmetic3A_267 = vector.broadcast %shift_right_arithmetic3A_266 : i32 to vector<16xi32>
        %shift_right_arithmetic3A_268 = arith.shrsi %shift_left3A_265, %shift_right_arithmetic3A_267 : vector<16xi32>
        %and3A_269 = arith.constant -1879056384 : i32
        %and3A_270 = vector.broadcast %and3A_269 : i32 to vector<16xi32>
        %and3A_271 = arith.andi %shift_right_arithmetic3A_268, %and3A_270 : vector<16xi32>
        %shift_right_arithmetic3A_272 = arith.constant 3 : i32
        %shift_right_arithmetic3A_273 = vector.broadcast %shift_right_arithmetic3A_272 : i32 to vector<16xi32>
        %shift_right_arithmetic3A_274 = arith.shrsi %get3A_262, %shift_right_arithmetic3A_273 : vector<16xi32>
        %and3A_275 = arith.constant -1879056384 : i32
        %and3A_276 = vector.broadcast %and3A_275 : i32 to vector<16xi32>
        %and3A_277 = arith.andi %shift_right_arithmetic3A_274, %and3A_276 : vector<16xi32>
        %bitcast3A_278 = vector.bitcast %and3A_271 : vector<16xi32> to vector<16xf32>
        %bitcast3A_279 = vector.bitcast %and3A_277 : vector<16xi32> to vector<16xf32>
        %get3A_280 = arith.index_cast %mul3A_256 : i32 to index
        %get3A_281 = tpu.vector_load %arg24[%get3A_280] {strides = array<i32>} : memref<4096xi32, #tpu.memory_space<vmem>>, vector<16xi32>,
        %shift_left3A_282 = arith.constant 16 : i32
        %shift_left3A_283 = vector.broadcast %shift_left3A_282 : i32 to vector<16xi32>
        %shift_left3A_284 = arith.shli %get3A_281, %shift_left3A_283 : vector<16xi32>
        %shift_right_arithmetic3A_285 = arith.constant 3 : i32
        %shift_right_arithmetic3A_286 = vector.broadcast %shift_right_arithmetic3A_285 : i32 to vector<16xi32>
        %shift_right_arithmetic3A_287 = arith.shrsi %shift_left3A_284, %shift_right_arithmetic3A_286 : vector<16xi32>
        %and3A_288 = arith.constant -1879056384 : i32
        %and3A_289 = vector.broadcast %and3A_288 : i32 to vector<16xi32>
        %and3A_290 = arith.andi %shift_right_arithmetic3A_287, %and3A_289 : vector<16xi32>
        %shift_right_arithmetic3A_291 = arith.constant 3 : i32
        %shift_right_arithmetic3A_292 = vector.broadcast %shift_right_arithmetic3A_291 : i32 to vector<16xi32>
        %shift_right_arithmetic3A_293 = arith.shrsi %get3A_281, %shift_right_arithmetic3A_292 : vector<16xi32>
        %and3A_294 = arith.constant -1879056384 : i32
        %and3A_295 = vector.broadcast %and3A_294 : i32 to vector<16xi32>
        %and3A_296 = arith.andi %shift_right_arithmetic3A_293, %and3A_295 : vector<16xi32>
        %bitcast3A_297 = vector.bitcast %and3A_290 : vector<16xi32> to vector<16xf32>
        %bitcast3A_298 = vector.bitcast %and3A_296 : vector<16xi32> to vector<16xf32>
        %get3A_299 = arith.index_cast %mul3A_256 : i32 to index
        %get3A_300 = tpu.vector_load %arg25[%get3A_299] {strides = array<i32>} : memref<4096xi32, #tpu.memory_space<vmem>>, vector<16xi32>,
        %shift_left3A_301 = arith.constant 16 : i32
        %shift_left3A_302 = vector.broadcast %shift_left3A_301 : i32 to vector<16xi32>
        %shift_left3A_303 = arith.shli %get3A_300, %shift_left3A_302 : vector<16xi32>
        %shift_right_arithmetic3A_304 = arith.constant 3 : i32
        %shift_right_arithmetic3A_305 = vector.broadcast %shift_right_arithmetic3A_304 : i32 to vector<16xi32>
        %shift_right_arithmetic3A_306 = arith.shrsi %shift_left3A_303, %shift_right_arithmetic3A_305 : vector<16xi32>
        %and3A_307 = arith.constant -1879056384 : i32
        %and3A_308 = vector.broadcast %and3A_307 : i32 to vector<16xi32>
        %and3A_309 = arith.andi %shift_right_arithmetic3A_306, %and3A_308 : vector<16xi32>
        %shift_right_arithmetic3A_310 = arith.constant 3 : i32
        %shift_right_arithmetic3A_311 = vector.broadcast %shift_right_arithmetic3A_310 : i32 to vector<16xi32>
        %shift_right_arithmetic3A_312 = arith.shrsi %get3A_300, %shift_right_arithmetic3A_311 : vector<16xi32>
        %and3A_313 = arith.constant -1879056384 : i32
        %and3A_314 = vector.broadcast %and3A_313 : i32 to vector<16xi32>
        %and3A_315 = arith.andi %shift_right_arithmetic3A_312, %and3A_314 : vector<16xi32>
        %bitcast3A_316 = vector.bitcast %and3A_309 : vector<16xi32> to vector<16xf32>
        %bitcast3A_317 = vector.bitcast %and3A_315 : vector<16xi32> to vector<16xf32>
        %get3A_318 = arith.index_cast %mul3A_256 : i32 to index
        %get3A_319 = tpu.vector_load %arg26[%get3A_318] {strides = array<i32>} : memref<4096xi32, #tpu.memory_space<vmem>>, vector<16xi32>,
        %shift_left3A_320 = arith.constant 16 : i32
        %shift_left3A_321 = vector.broadcast %shift_left3A_320 : i32 to vector<16xi32>
        %shift_left3A_322 = arith.shli %get3A_319, %shift_left3A_321 : vector<16xi32>
        %shift_right_arithmetic3A_323 = arith.constant 3 : i32
        %shift_right_arithmetic3A_324 = vector.broadcast %shift_right_arithmetic3A_323 : i32 to vector<16xi32>
        %shift_right_arithmetic3A_325 = arith.shrsi %shift_left3A_322, %shift_right_arithmetic3A_324 : vector<16xi32>
        %and3A_326 = arith.constant -1879056384 : i32
        %and3A_327 = vector.broadcast %and3A_326 : i32 to vector<16xi32>
        %and3A_328 = arith.andi %shift_right_arithmetic3A_325, %and3A_327 : vector<16xi32>
        %shift_right_arithmetic3A_329 = arith.constant 3 : i32
        %shift_right_arithmetic3A_330 = vector.broadcast %shift_right_arithmetic3A_329 : i32 to vector<16xi32>
        %shift_right_arithmetic3A_331 = arith.shrsi %get3A_319, %shift_right_arithmetic3A_330 : vector<16xi32>
        %and3A_332 = arith.constant -1879056384 : i32
        %and3A_333 = vector.broadcast %and3A_332 : i32 to vector<16xi32>
        %and3A_334 = arith.andi %shift_right_arithmetic3A_331, %and3A_333 : vector<16xi32>
        %bitcast3A_335 = vector.bitcast %and3A_328 : vector<16xi32> to vector<16xf32>
        %bitcast3A_336 = vector.bitcast %and3A_334 : vector<16xi32> to vector<16xf32>
        %get3A_337 = arith.index_cast %mul3A_256 : i32 to index
        %get3A_338 = tpu.vector_load %arg31[%get3A_337] {strides = array<i32>} : memref<4096xi32, #tpu.memory_space<vmem>>, vector<16xi32>,
        %shift_left3A_339 = arith.constant 16 : i32
        %shift_left3A_340 = vector.broadcast %shift_left3A_339 : i32 to vector<16xi32>
        %shift_left3A_341 = arith.shli %get3A_338, %shift_left3A_340 : vector<16xi32>
        %shift_right_arithmetic3A_342 = arith.constant 3 : i32
        %shift_right_arithmetic3A_343 = vector.broadcast %shift_right_arithmetic3A_342 : i32 to vector<16xi32>
        %shift_right_arithmetic3A_344 = arith.shrsi %shift_left3A_341, %shift_right_arithmetic3A_343 : vector<16xi32>
        %and3A_345 = arith.constant -1879056384 : i32
        %and3A_346 = vector.broadcast %and3A_345 : i32 to vector<16xi32>
        %and3A_347 = arith.andi %shift_right_arithmetic3A_344, %and3A_346 : vector<16xi32>
        %shift_right_arithmetic3A_348 = arith.constant 3 : i32
        %shift_right_arithmetic3A_349 = vector.broadcast %shift_right_arithmetic3A_348 : i32 to vector<16xi32>
        %shift_right_arithmetic3A_350 = arith.shrsi %get3A_338, %shift_right_arithmetic3A_349 : vector<16xi32>
        %and3A_351 = arith.constant -1879056384 : i32
        %and3A_352 = vector.broadcast %and3A_351 : i32 to vector<16xi32>
        %and3A_353 = arith.andi %shift_right_arithmetic3A_350, %and3A_352 : vector<16xi32>
        %bitcast3A_354 = vector.bitcast %and3A_347 : vector<16xi32> to vector<16xf32>
        %bitcast3A_355 = vector.bitcast %and3A_353 : vector<16xi32> to vector<16xf32>
        %get3A_356 = arith.index_cast %mul3A_256 : i32 to index
        %get3A_357 = tpu.vector_load %arg32[%get3A_356] {strides = array<i32>} : memref<4096xi32, #tpu.memory_space<vmem>>, vector<16xi32>,
        %shift_left3A_358 = arith.constant 16 : i32
        %shift_left3A_359 = vector.broadcast %shift_left3A_358 : i32 to vector<16xi32>
        %shift_left3A_360 = arith.shli %get3A_357, %shift_left3A_359 : vector<16xi32>
        %shift_right_arithmetic3A_361 = arith.constant 3 : i32
        %shift_right_arithmetic3A_362 = vector.broadcast %shift_right_arithmetic3A_361 : i32 to vector<16xi32>
        %shift_right_arithmetic3A_363 = arith.shrsi %shift_left3A_360, %shift_right_arithmetic3A_362 : vector<16xi32>
        %and3A_364 = arith.constant -1879056384 : i32
        %and3A_365 = vector.broadcast %and3A_364 : i32 to vector<16xi32>
        %and3A_366 = arith.andi %shift_right_arithmetic3A_363, %and3A_365 : vector<16xi32>
        %shift_right_arithmetic3A_367 = arith.constant 3 : i32
        %shift_right_arithmetic3A_368 = vector.broadcast %shift_right_arithmetic3A_367 : i32 to vector<16xi32>
        %shift_right_arithmetic3A_369 = arith.shrsi %get3A_357, %shift_right_arithmetic3A_368 : vector<16xi32>
        %and3A_370 = arith.constant -1879056384 : i32
        %and3A_371 = vector.broadcast %and3A_370 : i32 to vector<16xi32>
        %and3A_372 = arith.andi %shift_right_arithmetic3A_369, %and3A_371 : vector<16xi32>
        %bitcast3A_373 = vector.bitcast %and3A_366 : vector<16xi32> to vector<16xf32>
        %bitcast3A_374 = vector.bitcast %and3A_372 : vector<16xi32> to vector<16xf32>
        %sub3A_375 = arith.subf %bitcast3A_297, %bitcast3A_278 : vector<16xf32>
        %mul3A_376 = arith.mulf %get3A_258, %sub3A_375 : vector<16xf32>
        %add3A_377 = arith.addf %bitcast3A_278, %mul3A_376 : vector<16xf32>
        %sub3A_378 = arith.subf %bitcast3A_335, %bitcast3A_316 : vector<16xf32>
        %mul3A_379 = arith.mulf %get3A_258, %sub3A_378 : vector<16xf32>
        %add3A_380 = arith.addf %bitcast3A_316, %mul3A_379 : vector<16xf32>
        %sub3A_381 = arith.subf %add3A_380, %add3A_377 : vector<16xf32>
        %mul3A_382 = arith.mulf %get3A_260, %sub3A_381 : vector<16xf32>
        %add3A_383 = arith.addf %add3A_377, %mul3A_382 : vector<16xf32>
        %mul3A_384 = arith.constant 5.19229686E+33 : f32
        %mul3A_385 = vector.broadcast %mul3A_384 : f32 to vector<16xf32>
        %mul3A_386 = arith.mulf %add3A_383, %mul3A_385 : vector<16xf32>
        %swap3A_387 = arith.index_cast %mul3A_256 : i32 to index
        %swap3A_388 = tpu.vector_load %arg35[%swap3A_387] {strides = array<i32>} : memref<4096xf32, #tpu.memory_space<vmem>>, vector<16xf32>,
        tpu.vector_store %arg35[%swap3A_387], %mul3A_386 {strides = array<i32>} : memref<4096xf32, #tpu.memory_space<vmem>>, vector<16xf32>,
        %sub3A_389 = arith.subf %bitcast3A_298, %bitcast3A_279 : vector<16xf32>
        %mul3A_390 = arith.mulf %get3A_258, %sub3A_389 : vector<16xf32>
        %add3A_391 = arith.addf %bitcast3A_279, %mul3A_390 : vector<16xf32>
        %sub3A_392 = arith.subf %bitcast3A_336, %bitcast3A_317 : vector<16xf32>
        %mul3A_393 = arith.mulf %get3A_258, %sub3A_392 : vector<16xf32>
        %add3A_394 = arith.addf %bitcast3A_317, %mul3A_393 : vector<16xf32>
        %sub3A_395 = arith.subf %add3A_394, %add3A_391 : vector<16xf32>
        %mul3A_396 = arith.mulf %get3A_260, %sub3A_395 : vector<16xf32>
        %add3A_397 = arith.addf %add3A_391, %mul3A_396 : vector<16xf32>
        %mul3A_398 = arith.constant 5.19229686E+33 : f32
        %mul3A_399 = vector.broadcast %mul3A_398 : f32 to vector<16xf32>
        %mul3A_400 = arith.mulf %add3A_397, %mul3A_399 : vector<16xf32>
        %swap3A_401 = arith.index_cast %mul3A_256 : i32 to index
        %swap3A_402 = tpu.vector_load %arg36[%swap3A_401] {strides = array<i32>} : memref<4096xf32, #tpu.memory_space<vmem>>, vector<16xf32>,
        tpu.vector_store %arg36[%swap3A_401], %mul3A_400 {strides = array<i32>} : memref<4096xf32, #tpu.memory_space<vmem>>, vector<16xf32>,
        %sub3A_403 = arith.subf %bitcast3A_355, %bitcast3A_354 : vector<16xf32>
        %mul3A_404 = arith.mulf %get3A_258, %sub3A_403 : vector<16xf32>
        %add3A_405 = arith.addf %bitcast3A_354, %mul3A_404 : vector<16xf32>
        %sub3A_406 = arith.subf %bitcast3A_374, %bitcast3A_373 : vector<16xf32>
        %mul3A_407 = arith.mulf %get3A_258, %sub3A_406 : vector<16xf32>
        %add3A_408 = arith.addf %bitcast3A_373, %mul3A_407 : vector<16xf32>
        %sub3A_409 = arith.subf %add3A_408, %add3A_405 : vector<16xf32>
        %mul3A_410 = arith.mulf %get3A_260, %sub3A_409 : vector<16xf32>
        %add3A_411 = arith.addf %add3A_405, %mul3A_410 : vector<16xf32>
        %mul3A_412 = arith.constant 5.19229686E+33 : f32
        %mul3A_413 = vector.broadcast %mul3A_412 : f32 to vector<16xf32>
        %mul3A_414 = arith.mulf %add3A_411, %mul3A_413 : vector<16xf32>
        %swap3A_415 = arith.index_cast %mul3A_256 : i32 to index
        %swap3A_416 = tpu.vector_load %arg37[%swap3A_415] {strides = array<i32>} : memref<4096xf32, #tpu.memory_space<vmem>>, vector<16xf32>,
        tpu.vector_store %arg37[%swap3A_415], %mul3A_414 {strides = array<i32>} : memref<4096xf32, #tpu.memory_space<vmem>>, vector<16xf32>,
        %scan3A_417 = arith.constant 0 : i32
        scf.yield %scan3A_417 : i32
      }
      %scan3A_72 = arith.constant 256 : i32
      "tpu.region"() ({
        %run_scoped3A = tpu.sem_alloc : memref<!tpu.dma_semaphore, #tpu.memory_space<semaphore_mem>>
        %dma_start3A_95 = tpu.memref_slice %arg6[%add3A_33] : memref<1048576xf32, #tpu.memory_space<hbm>> -> memref<4096xf32, #tpu.memory_space<hbm>>
        %dma_start3A_96 = tpu.memref_slice %arg6[%add3A_33] : memref<1048576xf32, #tpu.memory_space<hbm>> -> memref<4096xf32, #tpu.memory_space<hbm>>
        tpu.enqueue_dma source(%arg35 : memref<4096xf32, #tpu.memory_space<vmem>>) target(%dma_start3A_96 : memref<4096xf32, #tpu.memory_space<hbm>>) target_semaphore(%run_scoped3A : memref<!tpu.dma_semaphore, #tpu.memory_space<semaphore_mem>>)
        %dma_wait3A_97 = tpu.memref_slice %arg6[%add3A_33] : memref<1048576xf32, #tpu.memory_space<hbm>> -> memref<4096xf32, #tpu.memory_space<hbm>>
        %dma_wait3A_98 = tpu.memref_slice %arg6[%add3A_33] : memref<1048576xf32, #tpu.memory_space<hbm>> -> memref<4096xf32, #tpu.memory_space<hbm>>
        tpu.wait_dma2 semaphore(%run_scoped3A : memref<!tpu.dma_semaphore, #tpu.memory_space<semaphore_mem>>) src(%arg35 : memref<4096xf32, #tpu.memory_space<vmem>>) dst(%dma_wait3A_98 : memref<4096xf32, #tpu.memory_space<hbm>>)
        tpu.yield
      }) : () -> ()
      "tpu.region"() ({
        %run_scoped3A = tpu.sem_alloc : memref<!tpu.dma_semaphore, #tpu.memory_space<semaphore_mem>>
        %dma_start3A_95 = tpu.memref_slice %arg7[%add3A_33] : memref<1048576xf32, #tpu.memory_space<hbm>> -> memref<4096xf32, #tpu.memory_space<hbm>>
        %dma_start3A_96 = tpu.memref_slice %arg7[%add3A_33] : memref<1048576xf32, #tpu.memory_space<hbm>> -> memref<4096xf32, #tpu.memory_space<hbm>>
        tpu.enqueue_dma source(%arg36 : memref<4096xf32, #tpu.memory_space<vmem>>) target(%dma_start3A_96 : memref<4096xf32, #tpu.memory_space<hbm>>) target_semaphore(%run_scoped3A : memref<!tpu.dma_semaphore, #tpu.memory_space<semaphore_mem>>)
        %dma_wait3A_97 = tpu.memref_slice %arg7[%add3A_33] : memref<1048576xf32, #tpu.memory_space<hbm>> -> memref<4096xf32, #tpu.memory_space<hbm>>
        %dma_wait3A_98 = tpu.memref_slice %arg7[%add3A_33] : memref<1048576xf32, #tpu.memory_space<hbm>> -> memref<4096xf32, #tpu.memory_space<hbm>>
        tpu.wait_dma2 semaphore(%run_scoped3A : memref<!tpu.dma_semaphore, #tpu.memory_space<semaphore_mem>>) src(%arg36 : memref<4096xf32, #tpu.memory_space<vmem>>) dst(%dma_wait3A_98 : memref<4096xf32, #tpu.memory_space<hbm>>)
        tpu.yield
      }) : () -> ()
      "tpu.region"() ({
        %run_scoped3A = tpu.sem_alloc : memref<!tpu.dma_semaphore, #tpu.memory_space<semaphore_mem>>
        %dma_start3A_95 = tpu.memref_slice %arg8[%add3A_33] : memref<1048576xf32, #tpu.memory_space<hbm>> -> memref<4096xf32, #tpu.memory_space<hbm>>
        %dma_start3A_96 = tpu.memref_slice %arg8[%add3A_33] : memref<1048576xf32, #tpu.memory_space<hbm>> -> memref<4096xf32, #tpu.memory_space<hbm>>
        tpu.enqueue_dma source(%arg37 : memref<4096xf32, #tpu.memory_space<vmem>>) target(%dma_start3A_96 : memref<4096xf32, #tpu.memory_space<hbm>>) target_semaphore(%run_scoped3A : memref<!tpu.dma_semaphore, #tpu.memory_space<semaphore_mem>>)
        %dma_wait3A_97 = tpu.memref_slice %arg8[%add3A_33] : memref<1048576xf32, #tpu.memory_space<hbm>> -> memref<4096xf32, #tpu.memory_space<hbm>>
        %dma_wait3A_98 = tpu.memref_slice %arg8[%add3A_33] : memref<1048576xf32, #tpu.memory_space<hbm>> -> memref<4096xf32, #tpu.memory_space<hbm>>
        tpu.wait_dma2 semaphore(%run_scoped3A : memref<!tpu.dma_semaphore, #tpu.memory_space<semaphore_mem>>) src(%arg37 : memref<4096xf32, #tpu.memory_space<vmem>>) dst(%dma_wait3A_98 : memref<4096xf32, #tpu.memory_space<hbm>>)
        tpu.yield
      }) : () -> ()
      %lt3A = arith.constant 3 : i32
      %lt3A_73 = arith.cmpi slt, %scan3A_27, %lt3A : i32
      %convert_element_type3A = arith.extui %lt3A_73 : i1 to i32
      %cond3A = arith.constant 0 : i32
      %cond3A_74 = arith.cmpi ne, %convert_element_type3A, %cond3A : i32
      scf.if %cond3A_74 {
        %add3A_95 = arith.constant 8192 : i32
        %add3A_96 = arith.addi %add3A_33, %add3A_95 : i32
        "tpu.region"() ({
          %run_scoped3A = tpu.sem_alloc : memref<!tpu.dma_semaphore, #tpu.memory_space<semaphore_mem>>
          %dma_start3A_116 = tpu.memref_slice %arg2[%add3A_96] : memref<1048576xf32, #tpu.memory_space<hbm>> -> memref<4096xf32, #tpu.memory_space<hbm>>
          %dma_start3A_117 = tpu.memref_slice %arg2[%add3A_96] : memref<1048576xf32, #tpu.memory_space<hbm>> -> memref<4096xf32, #tpu.memory_space<hbm>>
          tpu.enqueue_dma source(%dma_start3A_117 : memref<4096xf32, #tpu.memory_space<hbm>>) target(%arg9 : memref<4096xf32, #tpu.memory_space<vmem>>) target_semaphore(%run_scoped3A : memref<!tpu.dma_semaphore, #tpu.memory_space<semaphore_mem>>)
          %dma_wait3A_118 = tpu.memref_slice %arg2[%add3A_96] : memref<1048576xf32, #tpu.memory_space<hbm>> -> memref<4096xf32, #tpu.memory_space<hbm>>
          %dma_wait3A_119 = tpu.memref_slice %arg2[%add3A_96] : memref<1048576xf32, #tpu.memory_space<hbm>> -> memref<4096xf32, #tpu.memory_space<hbm>>
          tpu.wait_dma2 semaphore(%run_scoped3A : memref<!tpu.dma_semaphore, #tpu.memory_space<semaphore_mem>>) src(%dma_wait3A_119 : memref<4096xf32, #tpu.memory_space<hbm>>) dst(%arg9 : memref<4096xf32, #tpu.memory_space<vmem>>)
          tpu.yield
        }) : () -> ()
        "tpu.region"() ({
          %run_scoped3A = tpu.sem_alloc : memref<!tpu.dma_semaphore, #tpu.memory_space<semaphore_mem>>
          %dma_start3A_116 = tpu.memref_slice %arg3[%add3A_96] : memref<1048576xf32, #tpu.memory_space<hbm>> -> memref<4096xf32, #tpu.memory_space<hbm>>
          %dma_start3A_117 = tpu.memref_slice %arg3[%add3A_96] : memref<1048576xf32, #tpu.memory_space<hbm>> -> memref<4096xf32, #tpu.memory_space<hbm>>
          tpu.enqueue_dma source(%dma_start3A_117 : memref<4096xf32, #tpu.memory_space<hbm>>) target(%arg10 : memref<4096xf32, #tpu.memory_space<vmem>>) target_semaphore(%run_scoped3A : memref<!tpu.dma_semaphore, #tpu.memory_space<semaphore_mem>>)
          %dma_wait3A_118 = tpu.memref_slice %arg3[%add3A_96] : memref<1048576xf32, #tpu.memory_space<hbm>> -> memref<4096xf32, #tpu.memory_space<hbm>>
          %dma_wait3A_119 = tpu.memref_slice %arg3[%add3A_96] : memref<1048576xf32, #tpu.memory_space<hbm>> -> memref<4096xf32, #tpu.memory_space<hbm>>
          tpu.wait_dma2 semaphore(%run_scoped3A : memref<!tpu.dma_semaphore, #tpu.memory_space<semaphore_mem>>) src(%dma_wait3A_119 : memref<4096xf32, #tpu.memory_space<hbm>>) dst(%arg10 : memref<4096xf32, #tpu.memory_space<vmem>>)
          tpu.yield
        }) : () -> ()
        %scan3A_97 = arith.constant 0 : i32
        %scan3A_98 = arith.constant 0 : i32
        %scan3A_99 = arith.constant 256 : i32
        %scan3A_100 = arith.addi %scan3A_98, %scan3A_99 : i32
        %scan3A_101 = arith.constant 2 : i32
        %scan3A_102 = scf.for %scan3A_116 = %scan3A_98 to %scan3A_100 step %scan3A_101 iter_args(%scan3A_117 = %scan3A_97) -> (i32)  : i32 {
          %mul3A_118 = arith.constant 16 : i32
          %mul3A_119 = arith.muli %scan3A_116, %mul3A_118 : i32
          %get3A = arith.index_cast %mul3A_119 : i32 to index
          %get3A_120 = tpu.vector_load %arg9[%get3A] {strides = array<i32>} : memref<4096xf32, #tpu.memory_space<vmem>>, vector<16xf32>,
          %get3A_121 = arith.index_cast %mul3A_119 : i32 to index
          %get3A_122 = tpu.vector_load %arg10[%get3A_121] {strides = array<i32>} : memref<4096xf32, #tpu.memory_space<vmem>>, vector<16xf32>,
          %mul3A_123 = arith.constant 2.048000e+03 : f32
          %mul3A_124 = vector.broadcast %mul3A_123 : f32 to vector<16xf32>
          %mul3A_125 = arith.mulf %get3A_120, %mul3A_124 : vector<16xf32>
          %mul3A_126 = arith.constant 2.048000e+03 : f32
          %mul3A_127 = vector.broadcast %mul3A_126 : f32 to vector<16xf32>
          %mul3A_128 = arith.mulf %get3A_122, %mul3A_127 : vector<16xf32>
          %convert_element_type3A_129 = arith.fptosi %mul3A_125 : vector<16xf32> to vector<16xi32>
          %convert_element_type3A_130 = arith.fptosi %mul3A_128 : vector<16xf32> to vector<16xi32>
          %convert_element_type3A_131 = arith.sitofp %convert_element_type3A_129 : vector<16xi32> to vector<16xf32>
          %sub3A = arith.subf %mul3A_125, %convert_element_type3A_131 : vector<16xf32>
          %convert_element_type3A_132 = arith.sitofp %convert_element_type3A_130 : vector<16xi32> to vector<16xf32>
          %sub3A_133 = arith.subf %mul3A_128, %convert_element_type3A_132 : vector<16xf32>
          %min3A = arith.constant 2047 : i32
          %min3A_134 = vector.broadcast %min3A : i32 to vector<16xi32>
          %min3A_135 = arith.minsi %convert_element_type3A_129, %min3A_134 : vector<16xi32>
          %min3A_136 = arith.constant 2047 : i32
          %min3A_137 = vector.broadcast %min3A_136 : i32 to vector<16xi32>
          %min3A_138 = arith.minsi %convert_element_type3A_130, %min3A_137 : vector<16xi32>
          %add3A_139 = arith.constant 1 : i32
          %add3A_140 = vector.broadcast %add3A_139 : i32 to vector<16xi32>
          %add3A_141 = arith.addi %min3A_135, %add3A_140 : vector<16xi32>
          %min3A_142 = arith.constant 2047 : i32
          %min3A_143 = vector.broadcast %min3A_142 : i32 to vector<16xi32>
          %min3A_144 = arith.minsi %add3A_141, %min3A_143 : vector<16xi32>
          %add3A_145 = arith.constant 1 : i32
          %add3A_146 = vector.broadcast %add3A_145 : i32 to vector<16xi32>
          %add3A_147 = arith.addi %min3A_138, %add3A_146 : vector<16xi32>
          %min3A_148 = arith.constant 2047 : i32
          %min3A_149 = vector.broadcast %min3A_148 : i32 to vector<16xi32>
          %min3A_150 = arith.minsi %add3A_147, %min3A_149 : vector<16xi32>
          %mul3A_151 = arith.constant 2048 : i32
          %mul3A_152 = vector.broadcast %mul3A_151 : i32 to vector<16xi32>
          %mul3A_153 = arith.muli %min3A_138, %mul3A_152 : vector<16xi32>
          %mul3A_154 = arith.constant 2048 : i32
          %mul3A_155 = vector.broadcast %mul3A_154 : i32 to vector<16xi32>
          %mul3A_156 = arith.muli %min3A_150, %mul3A_155 : vector<16xi32>
          %add3A_157 = arith.addi %mul3A_153, %min3A_135 : vector<16xi32>
          %swap3A = arith.index_cast %mul3A_119 : i32 to index
          %swap3A_158 = tpu.vector_load %arg15[%swap3A] {strides = array<i32>} : memref<4096xi32, #tpu.memory_space<vmem>>, vector<16xi32>,
          tpu.vector_store %arg15[%swap3A], %add3A_157 {strides = array<i32>} : memref<4096xi32, #tpu.memory_space<vmem>>, vector<16xi32>,
          %add3A_159 = arith.addi %mul3A_153, %min3A_144 : vector<16xi32>
          %swap3A_160 = arith.index_cast %mul3A_119 : i32 to index
          %swap3A_161 = tpu.vector_load %arg16[%swap3A_160] {strides = array<i32>} : memref<4096xi32, #tpu.memory_space<vmem>>, vector<16xi32>,
          tpu.vector_store %arg16[%swap3A_160], %add3A_159 {strides = array<i32>} : memref<4096xi32, #tpu.memory_space<vmem>>, vector<16xi32>,
          %add3A_162 = arith.addi %mul3A_156, %min3A_135 : vector<16xi32>
          %swap3A_163 = arith.index_cast %mul3A_119 : i32 to index
          %swap3A_164 = tpu.vector_load %arg17[%swap3A_163] {strides = array<i32>} : memref<4096xi32, #tpu.memory_space<vmem>>, vector<16xi32>,
          tpu.vector_store %arg17[%swap3A_163], %add3A_162 {strides = array<i32>} : memref<4096xi32, #tpu.memory_space<vmem>>, vector<16xi32>,
          %add3A_165 = arith.addi %mul3A_156, %min3A_144 : vector<16xi32>
          %swap3A_166 = arith.index_cast %mul3A_119 : i32 to index
          %swap3A_167 = tpu.vector_load %arg18[%swap3A_166] {strides = array<i32>} : memref<4096xi32, #tpu.memory_space<vmem>>, vector<16xi32>,
          tpu.vector_store %arg18[%swap3A_166], %add3A_165 {strides = array<i32>} : memref<4096xi32, #tpu.memory_space<vmem>>, vector<16xi32>,
          %swap3A_168 = arith.index_cast %mul3A_119 : i32 to index
          %swap3A_169 = tpu.vector_load %arg11[%swap3A_168] {strides = array<i32>} : memref<4096xf32, #tpu.memory_space<vmem>>, vector<16xf32>,
          tpu.vector_store %arg11[%swap3A_168], %sub3A {strides = array<i32>} : memref<4096xf32, #tpu.memory_space<vmem>>, vector<16xf32>,
          %swap3A_170 = arith.index_cast %mul3A_119 : i32 to index
          %swap3A_171 = tpu.vector_load %arg13[%swap3A_170] {strides = array<i32>} : memref<4096xf32, #tpu.memory_space<vmem>>, vector<16xf32>,
          tpu.vector_store %arg13[%swap3A_170], %sub3A_133 {strides = array<i32>} : memref<4096xf32, #tpu.memory_space<vmem>>, vector<16xf32>,
          %scan3A_172 = arith.constant 0 : i32
          %scan3A_173 = arith.constant 1 : i32
          %scan3A_174 = arith.addi %scan3A_116, %scan3A_173 : i32
          %mul3A_175 = arith.constant 16 : i32
          %mul3A_176 = arith.muli %scan3A_174, %mul3A_175 : i32
          %get3A_177 = arith.index_cast %mul3A_176 : i32 to index
          %get3A_178 = tpu.vector_load %arg9[%get3A_177] {strides = array<i32>} : memref<4096xf32, #tpu.memory_space<vmem>>, vector<16xf32>,
          %get3A_179 = arith.index_cast %mul3A_176 : i32 to index
          %get3A_180 = tpu.vector_load %arg10[%get3A_179] {strides = array<i32>} : memref<4096xf32, #tpu.memory_space<vmem>>, vector<16xf32>,
          %mul3A_181 = arith.constant 2.048000e+03 : f32
          %mul3A_182 = vector.broadcast %mul3A_181 : f32 to vector<16xf32>
          %mul3A_183 = arith.mulf %get3A_178, %mul3A_182 : vector<16xf32>
          %mul3A_184 = arith.constant 2.048000e+03 : f32
          %mul3A_185 = vector.broadcast %mul3A_184 : f32 to vector<16xf32>
          %mul3A_186 = arith.mulf %get3A_180, %mul3A_185 : vector<16xf32>
          %convert_element_type3A_187 = arith.fptosi %mul3A_183 : vector<16xf32> to vector<16xi32>
          %convert_element_type3A_188 = arith.fptosi %mul3A_186 : vector<16xf32> to vector<16xi32>
          %convert_element_type3A_189 = arith.sitofp %convert_element_type3A_187 : vector<16xi32> to vector<16xf32>
          %sub3A_190 = arith.subf %mul3A_183, %convert_element_type3A_189 : vector<16xf32>
          %convert_element_type3A_191 = arith.sitofp %convert_element_type3A_188 : vector<16xi32> to vector<16xf32>
          %sub3A_192 = arith.subf %mul3A_186, %convert_element_type3A_191 : vector<16xf32>
          %min3A_193 = arith.constant 2047 : i32
          %min3A_194 = vector.broadcast %min3A_193 : i32 to vector<16xi32>
          %min3A_195 = arith.minsi %convert_element_type3A_187, %min3A_194 : vector<16xi32>
          %min3A_196 = arith.constant 2047 : i32
          %min3A_197 = vector.broadcast %min3A_196 : i32 to vector<16xi32>
          %min3A_198 = arith.minsi %convert_element_type3A_188, %min3A_197 : vector<16xi32>
          %add3A_199 = arith.constant 1 : i32
          %add3A_200 = vector.broadcast %add3A_199 : i32 to vector<16xi32>
          %add3A_201 = arith.addi %min3A_195, %add3A_200 : vector<16xi32>
          %min3A_202 = arith.constant 2047 : i32
          %min3A_203 = vector.broadcast %min3A_202 : i32 to vector<16xi32>
          %min3A_204 = arith.minsi %add3A_201, %min3A_203 : vector<16xi32>
          %add3A_205 = arith.constant 1 : i32
          %add3A_206 = vector.broadcast %add3A_205 : i32 to vector<16xi32>
          %add3A_207 = arith.addi %min3A_198, %add3A_206 : vector<16xi32>
          %min3A_208 = arith.constant 2047 : i32
          %min3A_209 = vector.broadcast %min3A_208 : i32 to vector<16xi32>
          %min3A_210 = arith.minsi %add3A_207, %min3A_209 : vector<16xi32>
          %mul3A_211 = arith.constant 2048 : i32
          %mul3A_212 = vector.broadcast %mul3A_211 : i32 to vector<16xi32>
          %mul3A_213 = arith.muli %min3A_198, %mul3A_212 : vector<16xi32>
          %mul3A_214 = arith.constant 2048 : i32
          %mul3A_215 = vector.broadcast %mul3A_214 : i32 to vector<16xi32>
          %mul3A_216 = arith.muli %min3A_210, %mul3A_215 : vector<16xi32>
          %add3A_217 = arith.addi %mul3A_213, %min3A_195 : vector<16xi32>
          %swap3A_218 = arith.index_cast %mul3A_176 : i32 to index
          %swap3A_219 = tpu.vector_load %arg15[%swap3A_218] {strides = array<i32>} : memref<4096xi32, #tpu.memory_space<vmem>>, vector<16xi32>,
          tpu.vector_store %arg15[%swap3A_218], %add3A_217 {strides = array<i32>} : memref<4096xi32, #tpu.memory_space<vmem>>, vector<16xi32>,
          %add3A_220 = arith.addi %mul3A_213, %min3A_204 : vector<16xi32>
          %swap3A_221 = arith.index_cast %mul3A_176 : i32 to index
          %swap3A_222 = tpu.vector_load %arg16[%swap3A_221] {strides = array<i32>} : memref<4096xi32, #tpu.memory_space<vmem>>, vector<16xi32>,
          tpu.vector_store %arg16[%swap3A_221], %add3A_220 {strides = array<i32>} : memref<4096xi32, #tpu.memory_space<vmem>>, vector<16xi32>,
          %add3A_223 = arith.addi %mul3A_216, %min3A_195 : vector<16xi32>
          %swap3A_224 = arith.index_cast %mul3A_176 : i32 to index
          %swap3A_225 = tpu.vector_load %arg17[%swap3A_224] {strides = array<i32>} : memref<4096xi32, #tpu.memory_space<vmem>>, vector<16xi32>,
          tpu.vector_store %arg17[%swap3A_224], %add3A_223 {strides = array<i32>} : memref<4096xi32, #tpu.memory_space<vmem>>, vector<16xi32>,
          %add3A_226 = arith.addi %mul3A_216, %min3A_204 : vector<16xi32>
          %swap3A_227 = arith.index_cast %mul3A_176 : i32 to index
          %swap3A_228 = tpu.vector_load %arg18[%swap3A_227] {strides = array<i32>} : memref<4096xi32, #tpu.memory_space<vmem>>, vector<16xi32>,
          tpu.vector_store %arg18[%swap3A_227], %add3A_226 {strides = array<i32>} : memref<4096xi32, #tpu.memory_space<vmem>>, vector<16xi32>,
          %swap3A_229 = arith.index_cast %mul3A_176 : i32 to index
          %swap3A_230 = tpu.vector_load %arg11[%swap3A_229] {strides = array<i32>} : memref<4096xf32, #tpu.memory_space<vmem>>, vector<16xf32>,
          tpu.vector_store %arg11[%swap3A_229], %sub3A_190 {strides = array<i32>} : memref<4096xf32, #tpu.memory_space<vmem>>, vector<16xf32>,
          %swap3A_231 = arith.index_cast %mul3A_176 : i32 to index
          %swap3A_232 = tpu.vector_load %arg13[%swap3A_231] {strides = array<i32>} : memref<4096xf32, #tpu.memory_space<vmem>>, vector<16xf32>,
          tpu.vector_store %arg13[%swap3A_231], %sub3A_192 {strides = array<i32>} : memref<4096xf32, #tpu.memory_space<vmem>>, vector<16xf32>,
          %scan3A_233 = arith.constant 0 : i32
          scf.yield %scan3A_233 : i32
        }
        %scan3A_103 = arith.constant 256 : i32
        %dma_start3A_104 = arith.constant 0 : i32
        %dma_start3A_105 = tpu.memref_slice %arg4[%dma_start3A_104] : memref<4194304xi32, #tpu.memory_space<hbm>> -> memref<4194304xi32, #tpu.memory_space<hbm>>
        tpu.enqueue_indirect_dma source(%dma_start3A_105 : memref<4194304xi32, #tpu.memory_space<hbm>>) target(%arg23 : memref<4096xi32, #tpu.memory_space<vmem>>) offsets(%arg15 : memref<4096xi32, #tpu.memory_space<vmem>>) semaphore(%arg38 : memref<!tpu.dma_semaphore, #tpu.memory_space<semaphore_mem>>)
        %dma_start3A_106 = arith.constant 0 : i32
        %dma_start3A_107 = tpu.memref_slice %arg4[%dma_start3A_106] : memref<4194304xi32, #tpu.memory_space<hbm>> -> memref<4194304xi32, #tpu.memory_space<hbm>>
        tpu.enqueue_indirect_dma source(%dma_start3A_107 : memref<4194304xi32, #tpu.memory_space<hbm>>) target(%arg24 : memref<4096xi32, #tpu.memory_space<vmem>>) offsets(%arg16 : memref<4096xi32, #tpu.memory_space<vmem>>) semaphore(%arg38 : memref<!tpu.dma_semaphore, #tpu.memory_space<semaphore_mem>>)
        %dma_start3A_108 = arith.constant 0 : i32
        %dma_start3A_109 = tpu.memref_slice %arg4[%dma_start3A_108] : memref<4194304xi32, #tpu.memory_space<hbm>> -> memref<4194304xi32, #tpu.memory_space<hbm>>
        tpu.enqueue_indirect_dma source(%dma_start3A_109 : memref<4194304xi32, #tpu.memory_space<hbm>>) target(%arg25 : memref<4096xi32, #tpu.memory_space<vmem>>) offsets(%arg17 : memref<4096xi32, #tpu.memory_space<vmem>>) semaphore(%arg38 : memref<!tpu.dma_semaphore, #tpu.memory_space<semaphore_mem>>)
        %dma_start3A_110 = arith.constant 0 : i32
        %dma_start3A_111 = tpu.memref_slice %arg4[%dma_start3A_110] : memref<4194304xi32, #tpu.memory_space<hbm>> -> memref<4194304xi32, #tpu.memory_space<hbm>>
        tpu.enqueue_indirect_dma source(%dma_start3A_111 : memref<4194304xi32, #tpu.memory_space<hbm>>) target(%arg26 : memref<4096xi32, #tpu.memory_space<vmem>>) offsets(%arg18 : memref<4096xi32, #tpu.memory_space<vmem>>) semaphore(%arg38 : memref<!tpu.dma_semaphore, #tpu.memory_space<semaphore_mem>>)
        %dma_start3A_112 = arith.constant 0 : i32
        %dma_start3A_113 = tpu.memref_slice %arg5[%dma_start3A_112] : memref<4194304xi32, #tpu.memory_space<hbm>> -> memref<4194304xi32, #tpu.memory_space<hbm>>
        tpu.enqueue_indirect_dma source(%dma_start3A_113 : memref<4194304xi32, #tpu.memory_space<hbm>>) target(%arg31 : memref<4096xi32, #tpu.memory_space<vmem>>) offsets(%arg15 : memref<4096xi32, #tpu.memory_space<vmem>>) semaphore(%arg38 : memref<!tpu.dma_semaphore, #tpu.memory_space<semaphore_mem>>)
        %dma_start3A_114 = arith.constant 0 : i32
        %dma_start3A_115 = tpu.memref_slice %arg5[%dma_start3A_114] : memref<4194304xi32, #tpu.memory_space<hbm>> -> memref<4194304xi32, #tpu.memory_space<hbm>>
        tpu.enqueue_indirect_dma source(%dma_start3A_115 : memref<4194304xi32, #tpu.memory_space<hbm>>) target(%arg32 : memref<4096xi32, #tpu.memory_space<vmem>>) offsets(%arg17 : memref<4096xi32, #tpu.memory_space<vmem>>) semaphore(%arg38 : memref<!tpu.dma_semaphore, #tpu.memory_space<semaphore_mem>>)
      } else {
      }
      %dma_wait3A_75 = arith.constant 0 : i32
      %dma_wait3A_76 = tpu.memref_slice %arg4[%dma_wait3A_75] : memref<4194304xi32, #tpu.memory_space<hbm>> -> memref<4194304xi32, #tpu.memory_space<hbm>>
      tpu.wait_indirect_dma semaphore(%arg39 : memref<!tpu.dma_semaphore, #tpu.memory_space<semaphore_mem>>) src(%dma_wait3A_76 : memref<4194304xi32, #tpu.memory_space<hbm>>) dst(%arg27 : memref<4096xi32, #tpu.memory_space<vmem>>)
      %dma_wait3A_77 = arith.constant 0 : i32
      %dma_wait3A_78 = tpu.memref_slice %arg4[%dma_wait3A_77] : memref<4194304xi32, #tpu.memory_space<hbm>> -> memref<4194304xi32, #tpu.memory_space<hbm>>
      tpu.wait_indirect_dma semaphore(%arg39 : memref<!tpu.dma_semaphore, #tpu.memory_space<semaphore_mem>>) src(%dma_wait3A_78 : memref<4194304xi32, #tpu.memory_space<hbm>>) dst(%arg28 : memref<4096xi32, #tpu.memory_space<vmem>>)
      %dma_wait3A_79 = arith.constant 0 : i32
      %dma_wait3A_80 = tpu.memref_slice %arg4[%dma_wait3A_79] : memref<4194304xi32, #tpu.memory_space<hbm>> -> memref<4194304xi32, #tpu.memory_space<hbm>>
      tpu.wait_indirect_dma semaphore(%arg39 : memref<!tpu.dma_semaphore, #tpu.memory_space<semaphore_mem>>) src(%dma_wait3A_80 : memref<4194304xi32, #tpu.memory_space<hbm>>) dst(%arg29 : memref<4096xi32, #tpu.memory_space<vmem>>)
      %dma_wait3A_81 = arith.constant 0 : i32
      %dma_wait3A_82 = tpu.memref_slice %arg4[%dma_wait3A_81] : memref<4194304xi32, #tpu.memory_space<hbm>> -> memref<4194304xi32, #tpu.memory_space<hbm>>
      tpu.wait_indirect_dma semaphore(%arg39 : memref<!tpu.dma_semaphore, #tpu.memory_space<semaphore_mem>>) src(%dma_wait3A_82 : memref<4194304xi32, #tpu.memory_space<hbm>>) dst(%arg30 : memref<4096xi32, #tpu.memory_space<vmem>>)
      %dma_wait3A_83 = arith.constant 0 : i32
      %dma_wait3A_84 = tpu.memref_slice %arg5[%dma_wait3A_83] : memref<4194304xi32, #tpu.memory_space<hbm>> -> memref<4194304xi32, #tpu.memory_space<hbm>>
      tpu.wait_indirect_dma semaphore(%arg39 : memref<!tpu.dma_semaphore, #tpu.memory_space<semaphore_mem>>) src(%dma_wait3A_84 : memref<4194304xi32, #tpu.memory_space<hbm>>) dst(%arg33 : memref<4096xi32, #tpu.memory_space<vmem>>)
      %dma_wait3A_85 = arith.constant 0 : i32
      %dma_wait3A_86 = tpu.memref_slice %arg5[%dma_wait3A_85] : memref<4194304xi32, #tpu.memory_space<hbm>> -> memref<4194304xi32, #tpu.memory_space<hbm>>
      tpu.wait_indirect_dma semaphore(%arg39 : memref<!tpu.dma_semaphore, #tpu.memory_space<semaphore_mem>>) src(%dma_wait3A_86 : memref<4194304xi32, #tpu.memory_space<hbm>>) dst(%arg34 : memref<4096xi32, #tpu.memory_space<vmem>>)
      %scan3A_87 = arith.constant 0 : i32
      %scan3A_88 = arith.constant 0 : i32
      %scan3A_89 = arith.constant 256 : i32
      %scan3A_90 = arith.addi %scan3A_88, %scan3A_89 : i32
      %scan3A_91 = arith.constant 2 : i32
      %scan3A_92 = scf.for %scan3A_95 = %scan3A_88 to %scan3A_90 step %scan3A_91 iter_args(%scan3A_96 = %scan3A_87) -> (i32)  : i32 {
        %mul3A_97 = arith.constant 16 : i32
        %mul3A_98 = arith.muli %scan3A_95, %mul3A_97 : i32
        %get3A = arith.index_cast %mul3A_98 : i32 to index
        %get3A_99 = tpu.vector_load %arg12[%get3A] {strides = array<i32>} : memref<4096xf32, #tpu.memory_space<vmem>>, vector<16xf32>,
        %get3A_100 = arith.index_cast %mul3A_98 : i32 to index
        %get3A_101 = tpu.vector_load %arg14[%get3A_100] {strides = array<i32>} : memref<4096xf32, #tpu.memory_space<vmem>>, vector<16xf32>,
        %get3A_102 = arith.index_cast %mul3A_98 : i32 to index
        %get3A_103 = tpu.vector_load %arg27[%get3A_102] {strides = array<i32>} : memref<4096xi32, #tpu.memory_space<vmem>>, vector<16xi32>,
        %shift_left3A = arith.constant 16 : i32
        %shift_left3A_104 = vector.broadcast %shift_left3A : i32 to vector<16xi32>
        %shift_left3A_105 = arith.shli %get3A_103, %shift_left3A_104 : vector<16xi32>
        %shift_right_arithmetic3A = arith.constant 3 : i32
        %shift_right_arithmetic3A_106 = vector.broadcast %shift_right_arithmetic3A : i32 to vector<16xi32>
        %shift_right_arithmetic3A_107 = arith.shrsi %shift_left3A_105, %shift_right_arithmetic3A_106 : vector<16xi32>
        %and3A = arith.constant -1879056384 : i32
        %and3A_108 = vector.broadcast %and3A : i32 to vector<16xi32>
        %and3A_109 = arith.andi %shift_right_arithmetic3A_107, %and3A_108 : vector<16xi32>
        %shift_right_arithmetic3A_110 = arith.constant 3 : i32
        %shift_right_arithmetic3A_111 = vector.broadcast %shift_right_arithmetic3A_110 : i32 to vector<16xi32>
        %shift_right_arithmetic3A_112 = arith.shrsi %get3A_103, %shift_right_arithmetic3A_111 : vector<16xi32>
        %and3A_113 = arith.constant -1879056384 : i32
        %and3A_114 = vector.broadcast %and3A_113 : i32 to vector<16xi32>
        %and3A_115 = arith.andi %shift_right_arithmetic3A_112, %and3A_114 : vector<16xi32>
        %bitcast3A = vector.bitcast %and3A_109 : vector<16xi32> to vector<16xf32>
        %bitcast3A_116 = vector.bitcast %and3A_115 : vector<16xi32> to vector<16xf32>
        %get3A_117 = arith.index_cast %mul3A_98 : i32 to index
        %get3A_118 = tpu.vector_load %arg28[%get3A_117] {strides = array<i32>} : memref<4096xi32, #tpu.memory_space<vmem>>, vector<16xi32>,
        %shift_left3A_119 = arith.constant 16 : i32
        %shift_left3A_120 = vector.broadcast %shift_left3A_119 : i32 to vector<16xi32>
        %shift_left3A_121 = arith.shli %get3A_118, %shift_left3A_120 : vector<16xi32>
        %shift_right_arithmetic3A_122 = arith.constant 3 : i32
        %shift_right_arithmetic3A_123 = vector.broadcast %shift_right_arithmetic3A_122 : i32 to vector<16xi32>
        %shift_right_arithmetic3A_124 = arith.shrsi %shift_left3A_121, %shift_right_arithmetic3A_123 : vector<16xi32>
        %and3A_125 = arith.constant -1879056384 : i32
        %and3A_126 = vector.broadcast %and3A_125 : i32 to vector<16xi32>
        %and3A_127 = arith.andi %shift_right_arithmetic3A_124, %and3A_126 : vector<16xi32>
        %shift_right_arithmetic3A_128 = arith.constant 3 : i32
        %shift_right_arithmetic3A_129 = vector.broadcast %shift_right_arithmetic3A_128 : i32 to vector<16xi32>
        %shift_right_arithmetic3A_130 = arith.shrsi %get3A_118, %shift_right_arithmetic3A_129 : vector<16xi32>
        %and3A_131 = arith.constant -1879056384 : i32
        %and3A_132 = vector.broadcast %and3A_131 : i32 to vector<16xi32>
        %and3A_133 = arith.andi %shift_right_arithmetic3A_130, %and3A_132 : vector<16xi32>
        %bitcast3A_134 = vector.bitcast %and3A_127 : vector<16xi32> to vector<16xf32>
        %bitcast3A_135 = vector.bitcast %and3A_133 : vector<16xi32> to vector<16xf32>
        %get3A_136 = arith.index_cast %mul3A_98 : i32 to index
        %get3A_137 = tpu.vector_load %arg29[%get3A_136] {strides = array<i32>} : memref<4096xi32, #tpu.memory_space<vmem>>, vector<16xi32>,
        %shift_left3A_138 = arith.constant 16 : i32
        %shift_left3A_139 = vector.broadcast %shift_left3A_138 : i32 to vector<16xi32>
        %shift_left3A_140 = arith.shli %get3A_137, %shift_left3A_139 : vector<16xi32>
        %shift_right_arithmetic3A_141 = arith.constant 3 : i32
        %shift_right_arithmetic3A_142 = vector.broadcast %shift_right_arithmetic3A_141 : i32 to vector<16xi32>
        %shift_right_arithmetic3A_143 = arith.shrsi %shift_left3A_140, %shift_right_arithmetic3A_142 : vector<16xi32>
        %and3A_144 = arith.constant -1879056384 : i32
        %and3A_145 = vector.broadcast %and3A_144 : i32 to vector<16xi32>
        %and3A_146 = arith.andi %shift_right_arithmetic3A_143, %and3A_145 : vector<16xi32>
        %shift_right_arithmetic3A_147 = arith.constant 3 : i32
        %shift_right_arithmetic3A_148 = vector.broadcast %shift_right_arithmetic3A_147 : i32 to vector<16xi32>
        %shift_right_arithmetic3A_149 = arith.shrsi %get3A_137, %shift_right_arithmetic3A_148 : vector<16xi32>
        %and3A_150 = arith.constant -1879056384 : i32
        %and3A_151 = vector.broadcast %and3A_150 : i32 to vector<16xi32>
        %and3A_152 = arith.andi %shift_right_arithmetic3A_149, %and3A_151 : vector<16xi32>
        %bitcast3A_153 = vector.bitcast %and3A_146 : vector<16xi32> to vector<16xf32>
        %bitcast3A_154 = vector.bitcast %and3A_152 : vector<16xi32> to vector<16xf32>
        %get3A_155 = arith.index_cast %mul3A_98 : i32 to index
        %get3A_156 = tpu.vector_load %arg30[%get3A_155] {strides = array<i32>} : memref<4096xi32, #tpu.memory_space<vmem>>, vector<16xi32>,
        %shift_left3A_157 = arith.constant 16 : i32
        %shift_left3A_158 = vector.broadcast %shift_left3A_157 : i32 to vector<16xi32>
        %shift_left3A_159 = arith.shli %get3A_156, %shift_left3A_158 : vector<16xi32>
        %shift_right_arithmetic3A_160 = arith.constant 3 : i32
        %shift_right_arithmetic3A_161 = vector.broadcast %shift_right_arithmetic3A_160 : i32 to vector<16xi32>
        %shift_right_arithmetic3A_162 = arith.shrsi %shift_left3A_159, %shift_right_arithmetic3A_161 : vector<16xi32>
        %and3A_163 = arith.constant -1879056384 : i32
        %and3A_164 = vector.broadcast %and3A_163 : i32 to vector<16xi32>
        %and3A_165 = arith.andi %shift_right_arithmetic3A_162, %and3A_164 : vector<16xi32>
        %shift_right_arithmetic3A_166 = arith.constant 3 : i32
        %shift_right_arithmetic3A_167 = vector.broadcast %shift_right_arithmetic3A_166 : i32 to vector<16xi32>
        %shift_right_arithmetic3A_168 = arith.shrsi %get3A_156, %shift_right_arithmetic3A_167 : vector<16xi32>
        %and3A_169 = arith.constant -1879056384 : i32
        %and3A_170 = vector.broadcast %and3A_169 : i32 to vector<16xi32>
        %and3A_171 = arith.andi %shift_right_arithmetic3A_168, %and3A_170 : vector<16xi32>
        %bitcast3A_172 = vector.bitcast %and3A_165 : vector<16xi32> to vector<16xf32>
        %bitcast3A_173 = vector.bitcast %and3A_171 : vector<16xi32> to vector<16xf32>
        %get3A_174 = arith.index_cast %mul3A_98 : i32 to index
        %get3A_175 = tpu.vector_load %arg33[%get3A_174] {strides = array<i32>} : memref<4096xi32, #tpu.memory_space<vmem>>, vector<16xi32>,
        %shift_left3A_176 = arith.constant 16 : i32
        %shift_left3A_177 = vector.broadcast %shift_left3A_176 : i32 to vector<16xi32>
        %shift_left3A_178 = arith.shli %get3A_175, %shift_left3A_177 : vector<16xi32>
        %shift_right_arithmetic3A_179 = arith.constant 3 : i32
        %shift_right_arithmetic3A_180 = vector.broadcast %shift_right_arithmetic3A_179 : i32 to vector<16xi32>
        %shift_right_arithmetic3A_181 = arith.shrsi %shift_left3A_178, %shift_right_arithmetic3A_180 : vector<16xi32>
        %and3A_182 = arith.constant -1879056384 : i32
        %and3A_183 = vector.broadcast %and3A_182 : i32 to vector<16xi32>
        %and3A_184 = arith.andi %shift_right_arithmetic3A_181, %and3A_183 : vector<16xi32>
        %shift_right_arithmetic3A_185 = arith.constant 3 : i32
        %shift_right_arithmetic3A_186 = vector.broadcast %shift_right_arithmetic3A_185 : i32 to vector<16xi32>
        %shift_right_arithmetic3A_187 = arith.shrsi %get3A_175, %shift_right_arithmetic3A_186 : vector<16xi32>
        %and3A_188 = arith.constant -1879056384 : i32
        %and3A_189 = vector.broadcast %and3A_188 : i32 to vector<16xi32>
        %and3A_190 = arith.andi %shift_right_arithmetic3A_187, %and3A_189 : vector<16xi32>
        %bitcast3A_191 = vector.bitcast %and3A_184 : vector<16xi32> to vector<16xf32>
        %bitcast3A_192 = vector.bitcast %and3A_190 : vector<16xi32> to vector<16xf32>
        %get3A_193 = arith.index_cast %mul3A_98 : i32 to index
        %get3A_194 = tpu.vector_load %arg34[%get3A_193] {strides = array<i32>} : memref<4096xi32, #tpu.memory_space<vmem>>, vector<16xi32>,
        %shift_left3A_195 = arith.constant 16 : i32
        %shift_left3A_196 = vector.broadcast %shift_left3A_195 : i32 to vector<16xi32>
        %shift_left3A_197 = arith.shli %get3A_194, %shift_left3A_196 : vector<16xi32>
        %shift_right_arithmetic3A_198 = arith.constant 3 : i32
        %shift_right_arithmetic3A_199 = vector.broadcast %shift_right_arithmetic3A_198 : i32 to vector<16xi32>
        %shift_right_arithmetic3A_200 = arith.shrsi %shift_left3A_197, %shift_right_arithmetic3A_199 : vector<16xi32>
        %and3A_201 = arith.constant -1879056384 : i32
        %and3A_202 = vector.broadcast %and3A_201 : i32 to vector<16xi32>
        %and3A_203 = arith.andi %shift_right_arithmetic3A_200, %and3A_202 : vector<16xi32>
        %shift_right_arithmetic3A_204 = arith.constant 3 : i32
        %shift_right_arithmetic3A_205 = vector.broadcast %shift_right_arithmetic3A_204 : i32 to vector<16xi32>
        %shift_right_arithmetic3A_206 = arith.shrsi %get3A_194, %shift_right_arithmetic3A_205 : vector<16xi32>
        %and3A_207 = arith.constant -1879056384 : i32
        %and3A_208 = vector.broadcast %and3A_207 : i32 to vector<16xi32>
        %and3A_209 = arith.andi %shift_right_arithmetic3A_206, %and3A_208 : vector<16xi32>
        %bitcast3A_210 = vector.bitcast %and3A_203 : vector<16xi32> to vector<16xf32>
        %bitcast3A_211 = vector.bitcast %and3A_209 : vector<16xi32> to vector<16xf32>
        %sub3A = arith.subf %bitcast3A_134, %bitcast3A : vector<16xf32>
        %mul3A_212 = arith.mulf %get3A_99, %sub3A : vector<16xf32>
        %add3A_213 = arith.addf %bitcast3A, %mul3A_212 : vector<16xf32>
        %sub3A_214 = arith.subf %bitcast3A_172, %bitcast3A_153 : vector<16xf32>
        %mul3A_215 = arith.mulf %get3A_99, %sub3A_214 : vector<16xf32>
        %add3A_216 = arith.addf %bitcast3A_153, %mul3A_215 : vector<16xf32>
        %sub3A_217 = arith.subf %add3A_216, %add3A_213 : vector<16xf32>
        %mul3A_218 = arith.mulf %get3A_101, %sub3A_217 : vector<16xf32>
        %add3A_219 = arith.addf %add3A_213, %mul3A_218 : vector<16xf32>
        %mul3A_220 = arith.constant 5.19229686E+33 : f32
        %mul3A_221 = vector.broadcast %mul3A_220 : f32 to vector<16xf32>
        %mul3A_222 = arith.mulf %add3A_219, %mul3A_221 : vector<16xf32>
        %swap3A = arith.index_cast %mul3A_98 : i32 to index
        %swap3A_223 = tpu.vector_load %arg35[%swap3A] {strides = array<i32>} : memref<4096xf32, #tpu.memory_space<vmem>>, vector<16xf32>,
        tpu.vector_store %arg35[%swap3A], %mul3A_222 {strides = array<i32>} : memref<4096xf32, #tpu.memory_space<vmem>>, vector<16xf32>,
        %sub3A_224 = arith.subf %bitcast3A_135, %bitcast3A_116 : vector<16xf32>
        %mul3A_225 = arith.mulf %get3A_99, %sub3A_224 : vector<16xf32>
        %add3A_226 = arith.addf %bitcast3A_116, %mul3A_225 : vector<16xf32>
        %sub3A_227 = arith.subf %bitcast3A_173, %bitcast3A_154 : vector<16xf32>
        %mul3A_228 = arith.mulf %get3A_99, %sub3A_227 : vector<16xf32>
        %add3A_229 = arith.addf %bitcast3A_154, %mul3A_228 : vector<16xf32>
        %sub3A_230 = arith.subf %add3A_229, %add3A_226 : vector<16xf32>
        %mul3A_231 = arith.mulf %get3A_101, %sub3A_230 : vector<16xf32>
        %add3A_232 = arith.addf %add3A_226, %mul3A_231 : vector<16xf32>
        %mul3A_233 = arith.constant 5.19229686E+33 : f32
        %mul3A_234 = vector.broadcast %mul3A_233 : f32 to vector<16xf32>
        %mul3A_235 = arith.mulf %add3A_232, %mul3A_234 : vector<16xf32>
        %swap3A_236 = arith.index_cast %mul3A_98 : i32 to index
        %swap3A_237 = tpu.vector_load %arg36[%swap3A_236] {strides = array<i32>} : memref<4096xf32, #tpu.memory_space<vmem>>, vector<16xf32>,
        tpu.vector_store %arg36[%swap3A_236], %mul3A_235 {strides = array<i32>} : memref<4096xf32, #tpu.memory_space<vmem>>, vector<16xf32>,
        %sub3A_238 = arith.subf %bitcast3A_192, %bitcast3A_191 : vector<16xf32>
        %mul3A_239 = arith.mulf %get3A_99, %sub3A_238 : vector<16xf32>
        %add3A_240 = arith.addf %bitcast3A_191, %mul3A_239 : vector<16xf32>
        %sub3A_241 = arith.subf %bitcast3A_211, %bitcast3A_210 : vector<16xf32>
        %mul3A_242 = arith.mulf %get3A_99, %sub3A_241 : vector<16xf32>
        %add3A_243 = arith.addf %bitcast3A_210, %mul3A_242 : vector<16xf32>
        %sub3A_244 = arith.subf %add3A_243, %add3A_240 : vector<16xf32>
        %mul3A_245 = arith.mulf %get3A_101, %sub3A_244 : vector<16xf32>
        %add3A_246 = arith.addf %add3A_240, %mul3A_245 : vector<16xf32>
        %mul3A_247 = arith.constant 5.19229686E+33 : f32
        %mul3A_248 = vector.broadcast %mul3A_247 : f32 to vector<16xf32>
        %mul3A_249 = arith.mulf %add3A_246, %mul3A_248 : vector<16xf32>
        %swap3A_250 = arith.index_cast %mul3A_98 : i32 to index
        %swap3A_251 = tpu.vector_load %arg37[%swap3A_250] {strides = array<i32>} : memref<4096xf32, #tpu.memory_space<vmem>>, vector<16xf32>,
        tpu.vector_store %arg37[%swap3A_250], %mul3A_249 {strides = array<i32>} : memref<4096xf32, #tpu.memory_space<vmem>>, vector<16xf32>,
        %scan3A_252 = arith.constant 0 : i32
        %scan3A_253 = arith.constant 1 : i32
        %scan3A_254 = arith.addi %scan3A_95, %scan3A_253 : i32
        %mul3A_255 = arith.constant 16 : i32
        %mul3A_256 = arith.muli %scan3A_254, %mul3A_255 : i32
        %get3A_257 = arith.index_cast %mul3A_256 : i32 to index
        %get3A_258 = tpu.vector_load %arg12[%get3A_257] {strides = array<i32>} : memref<4096xf32, #tpu.memory_space<vmem>>, vector<16xf32>,
        %get3A_259 = arith.index_cast %mul3A_256 : i32 to index
        %get3A_260 = tpu.vector_load %arg14[%get3A_259] {strides = array<i32>} : memref<4096xf32, #tpu.memory_space<vmem>>, vector<16xf32>,
        %get3A_261 = arith.index_cast %mul3A_256 : i32 to index
        %get3A_262 = tpu.vector_load %arg27[%get3A_261] {strides = array<i32>} : memref<4096xi32, #tpu.memory_space<vmem>>, vector<16xi32>,
        %shift_left3A_263 = arith.constant 16 : i32
        %shift_left3A_264 = vector.broadcast %shift_left3A_263 : i32 to vector<16xi32>
        %shift_left3A_265 = arith.shli %get3A_262, %shift_left3A_264 : vector<16xi32>
        %shift_right_arithmetic3A_266 = arith.constant 3 : i32
        %shift_right_arithmetic3A_267 = vector.broadcast %shift_right_arithmetic3A_266 : i32 to vector<16xi32>
        %shift_right_arithmetic3A_268 = arith.shrsi %shift_left3A_265, %shift_right_arithmetic3A_267 : vector<16xi32>
        %and3A_269 = arith.constant -1879056384 : i32
        %and3A_270 = vector.broadcast %and3A_269 : i32 to vector<16xi32>
        %and3A_271 = arith.andi %shift_right_arithmetic3A_268, %and3A_270 : vector<16xi32>
        %shift_right_arithmetic3A_272 = arith.constant 3 : i32
        %shift_right_arithmetic3A_273 = vector.broadcast %shift_right_arithmetic3A_272 : i32 to vector<16xi32>
        %shift_right_arithmetic3A_274 = arith.shrsi %get3A_262, %shift_right_arithmetic3A_273 : vector<16xi32>
        %and3A_275 = arith.constant -1879056384 : i32
        %and3A_276 = vector.broadcast %and3A_275 : i32 to vector<16xi32>
        %and3A_277 = arith.andi %shift_right_arithmetic3A_274, %and3A_276 : vector<16xi32>
        %bitcast3A_278 = vector.bitcast %and3A_271 : vector<16xi32> to vector<16xf32>
        %bitcast3A_279 = vector.bitcast %and3A_277 : vector<16xi32> to vector<16xf32>
        %get3A_280 = arith.index_cast %mul3A_256 : i32 to index
        %get3A_281 = tpu.vector_load %arg28[%get3A_280] {strides = array<i32>} : memref<4096xi32, #tpu.memory_space<vmem>>, vector<16xi32>,
        %shift_left3A_282 = arith.constant 16 : i32
        %shift_left3A_283 = vector.broadcast %shift_left3A_282 : i32 to vector<16xi32>
        %shift_left3A_284 = arith.shli %get3A_281, %shift_left3A_283 : vector<16xi32>
        %shift_right_arithmetic3A_285 = arith.constant 3 : i32
        %shift_right_arithmetic3A_286 = vector.broadcast %shift_right_arithmetic3A_285 : i32 to vector<16xi32>
        %shift_right_arithmetic3A_287 = arith.shrsi %shift_left3A_284, %shift_right_arithmetic3A_286 : vector<16xi32>
        %and3A_288 = arith.constant -1879056384 : i32
        %and3A_289 = vector.broadcast %and3A_288 : i32 to vector<16xi32>
        %and3A_290 = arith.andi %shift_right_arithmetic3A_287, %and3A_289 : vector<16xi32>
        %shift_right_arithmetic3A_291 = arith.constant 3 : i32
        %shift_right_arithmetic3A_292 = vector.broadcast %shift_right_arithmetic3A_291 : i32 to vector<16xi32>
        %shift_right_arithmetic3A_293 = arith.shrsi %get3A_281, %shift_right_arithmetic3A_292 : vector<16xi32>
        %and3A_294 = arith.constant -1879056384 : i32
        %and3A_295 = vector.broadcast %and3A_294 : i32 to vector<16xi32>
        %and3A_296 = arith.andi %shift_right_arithmetic3A_293, %and3A_295 : vector<16xi32>
        %bitcast3A_297 = vector.bitcast %and3A_290 : vector<16xi32> to vector<16xf32>
        %bitcast3A_298 = vector.bitcast %and3A_296 : vector<16xi32> to vector<16xf32>
        %get3A_299 = arith.index_cast %mul3A_256 : i32 to index
        %get3A_300 = tpu.vector_load %arg29[%get3A_299] {strides = array<i32>} : memref<4096xi32, #tpu.memory_space<vmem>>, vector<16xi32>,
        %shift_left3A_301 = arith.constant 16 : i32
        %shift_left3A_302 = vector.broadcast %shift_left3A_301 : i32 to vector<16xi32>
        %shift_left3A_303 = arith.shli %get3A_300, %shift_left3A_302 : vector<16xi32>
        %shift_right_arithmetic3A_304 = arith.constant 3 : i32
        %shift_right_arithmetic3A_305 = vector.broadcast %shift_right_arithmetic3A_304 : i32 to vector<16xi32>
        %shift_right_arithmetic3A_306 = arith.shrsi %shift_left3A_303, %shift_right_arithmetic3A_305 : vector<16xi32>
        %and3A_307 = arith.constant -1879056384 : i32
        %and3A_308 = vector.broadcast %and3A_307 : i32 to vector<16xi32>
        %and3A_309 = arith.andi %shift_right_arithmetic3A_306, %and3A_308 : vector<16xi32>
        %shift_right_arithmetic3A_310 = arith.constant 3 : i32
        %shift_right_arithmetic3A_311 = vector.broadcast %shift_right_arithmetic3A_310 : i32 to vector<16xi32>
        %shift_right_arithmetic3A_312 = arith.shrsi %get3A_300, %shift_right_arithmetic3A_311 : vector<16xi32>
        %and3A_313 = arith.constant -1879056384 : i32
        %and3A_314 = vector.broadcast %and3A_313 : i32 to vector<16xi32>
        %and3A_315 = arith.andi %shift_right_arithmetic3A_312, %and3A_314 : vector<16xi32>
        %bitcast3A_316 = vector.bitcast %and3A_309 : vector<16xi32> to vector<16xf32>
        %bitcast3A_317 = vector.bitcast %and3A_315 : vector<16xi32> to vector<16xf32>
        %get3A_318 = arith.index_cast %mul3A_256 : i32 to index
        %get3A_319 = tpu.vector_load %arg30[%get3A_318] {strides = array<i32>} : memref<4096xi32, #tpu.memory_space<vmem>>, vector<16xi32>,
        %shift_left3A_320 = arith.constant 16 : i32
        %shift_left3A_321 = vector.broadcast %shift_left3A_320 : i32 to vector<16xi32>
        %shift_left3A_322 = arith.shli %get3A_319, %shift_left3A_321 : vector<16xi32>
        %shift_right_arithmetic3A_323 = arith.constant 3 : i32
        %shift_right_arithmetic3A_324 = vector.broadcast %shift_right_arithmetic3A_323 : i32 to vector<16xi32>
        %shift_right_arithmetic3A_325 = arith.shrsi %shift_left3A_322, %shift_right_arithmetic3A_324 : vector<16xi32>
        %and3A_326 = arith.constant -1879056384 : i32
        %and3A_327 = vector.broadcast %and3A_326 : i32 to vector<16xi32>
        %and3A_328 = arith.andi %shift_right_arithmetic3A_325, %and3A_327 : vector<16xi32>
        %shift_right_arithmetic3A_329 = arith.constant 3 : i32
        %shift_right_arithmetic3A_330 = vector.broadcast %shift_right_arithmetic3A_329 : i32 to vector<16xi32>
        %shift_right_arithmetic3A_331 = arith.shrsi %get3A_319, %shift_right_arithmetic3A_330 : vector<16xi32>
        %and3A_332 = arith.constant -1879056384 : i32
        %and3A_333 = vector.broadcast %and3A_332 : i32 to vector<16xi32>
        %and3A_334 = arith.andi %shift_right_arithmetic3A_331, %and3A_333 : vector<16xi32>
        %bitcast3A_335 = vector.bitcast %and3A_328 : vector<16xi32> to vector<16xf32>
        %bitcast3A_336 = vector.bitcast %and3A_334 : vector<16xi32> to vector<16xf32>
        %get3A_337 = arith.index_cast %mul3A_256 : i32 to index
        %get3A_338 = tpu.vector_load %arg33[%get3A_337] {strides = array<i32>} : memref<4096xi32, #tpu.memory_space<vmem>>, vector<16xi32>,
        %shift_left3A_339 = arith.constant 16 : i32
        %shift_left3A_340 = vector.broadcast %shift_left3A_339 : i32 to vector<16xi32>
        %shift_left3A_341 = arith.shli %get3A_338, %shift_left3A_340 : vector<16xi32>
        %shift_right_arithmetic3A_342 = arith.constant 3 : i32
        %shift_right_arithmetic3A_343 = vector.broadcast %shift_right_arithmetic3A_342 : i32 to vector<16xi32>
        %shift_right_arithmetic3A_344 = arith.shrsi %shift_left3A_341, %shift_right_arithmetic3A_343 : vector<16xi32>
        %and3A_345 = arith.constant -1879056384 : i32
        %and3A_346 = vector.broadcast %and3A_345 : i32 to vector<16xi32>
        %and3A_347 = arith.andi %shift_right_arithmetic3A_344, %and3A_346 : vector<16xi32>
        %shift_right_arithmetic3A_348 = arith.constant 3 : i32
        %shift_right_arithmetic3A_349 = vector.broadcast %shift_right_arithmetic3A_348 : i32 to vector<16xi32>
        %shift_right_arithmetic3A_350 = arith.shrsi %get3A_338, %shift_right_arithmetic3A_349 : vector<16xi32>
        %and3A_351 = arith.constant -1879056384 : i32
        %and3A_352 = vector.broadcast %and3A_351 : i32 to vector<16xi32>
        %and3A_353 = arith.andi %shift_right_arithmetic3A_350, %and3A_352 : vector<16xi32>
        %bitcast3A_354 = vector.bitcast %and3A_347 : vector<16xi32> to vector<16xf32>
        %bitcast3A_355 = vector.bitcast %and3A_353 : vector<16xi32> to vector<16xf32>
        %get3A_356 = arith.index_cast %mul3A_256 : i32 to index
        %get3A_357 = tpu.vector_load %arg34[%get3A_356] {strides = array<i32>} : memref<4096xi32, #tpu.memory_space<vmem>>, vector<16xi32>,
        %shift_left3A_358 = arith.constant 16 : i32
        %shift_left3A_359 = vector.broadcast %shift_left3A_358 : i32 to vector<16xi32>
        %shift_left3A_360 = arith.shli %get3A_357, %shift_left3A_359 : vector<16xi32>
        %shift_right_arithmetic3A_361 = arith.constant 3 : i32
        %shift_right_arithmetic3A_362 = vector.broadcast %shift_right_arithmetic3A_361 : i32 to vector<16xi32>
        %shift_right_arithmetic3A_363 = arith.shrsi %shift_left3A_360, %shift_right_arithmetic3A_362 : vector<16xi32>
        %and3A_364 = arith.constant -1879056384 : i32
        %and3A_365 = vector.broadcast %and3A_364 : i32 to vector<16xi32>
        %and3A_366 = arith.andi %shift_right_arithmetic3A_363, %and3A_365 : vector<16xi32>
        %shift_right_arithmetic3A_367 = arith.constant 3 : i32
        %shift_right_arithmetic3A_368 = vector.broadcast %shift_right_arithmetic3A_367 : i32 to vector<16xi32>
        %shift_right_arithmetic3A_369 = arith.shrsi %get3A_357, %shift_right_arithmetic3A_368 : vector<16xi32>
        %and3A_370 = arith.constant -1879056384 : i32
        %and3A_371 = vector.broadcast %and3A_370 : i32 to vector<16xi32>
        %and3A_372 = arith.andi %shift_right_arithmetic3A_369, %and3A_371 : vector<16xi32>
        %bitcast3A_373 = vector.bitcast %and3A_366 : vector<16xi32> to vector<16xf32>
        %bitcast3A_374 = vector.bitcast %and3A_372 : vector<16xi32> to vector<16xf32>
        %sub3A_375 = arith.subf %bitcast3A_297, %bitcast3A_278 : vector<16xf32>
        %mul3A_376 = arith.mulf %get3A_258, %sub3A_375 : vector<16xf32>
        %add3A_377 = arith.addf %bitcast3A_278, %mul3A_376 : vector<16xf32>
        %sub3A_378 = arith.subf %bitcast3A_335, %bitcast3A_316 : vector<16xf32>
        %mul3A_379 = arith.mulf %get3A_258, %sub3A_378 : vector<16xf32>
        %add3A_380 = arith.addf %bitcast3A_316, %mul3A_379 : vector<16xf32>
        %sub3A_381 = arith.subf %add3A_380, %add3A_377 : vector<16xf32>
        %mul3A_382 = arith.mulf %get3A_260, %sub3A_381 : vector<16xf32>
        %add3A_383 = arith.addf %add3A_377, %mul3A_382 : vector<16xf32>
        %mul3A_384 = arith.constant 5.19229686E+33 : f32
        %mul3A_385 = vector.broadcast %mul3A_384 : f32 to vector<16xf32>
        %mul3A_386 = arith.mulf %add3A_383, %mul3A_385 : vector<16xf32>
        %swap3A_387 = arith.index_cast %mul3A_256 : i32 to index
        %swap3A_388 = tpu.vector_load %arg35[%swap3A_387] {strides = array<i32>} : memref<4096xf32, #tpu.memory_space<vmem>>, vector<16xf32>,
        tpu.vector_store %arg35[%swap3A_387], %mul3A_386 {strides = array<i32>} : memref<4096xf32, #tpu.memory_space<vmem>>, vector<16xf32>,
        %sub3A_389 = arith.subf %bitcast3A_298, %bitcast3A_279 : vector<16xf32>
        %mul3A_390 = arith.mulf %get3A_258, %sub3A_389 : vector<16xf32>
        %add3A_391 = arith.addf %bitcast3A_279, %mul3A_390 : vector<16xf32>
        %sub3A_392 = arith.subf %bitcast3A_336, %bitcast3A_317 : vector<16xf32>
        %mul3A_393 = arith.mulf %get3A_258, %sub3A_392 : vector<16xf32>
        %add3A_394 = arith.addf %bitcast3A_317, %mul3A_393 : vector<16xf32>
        %sub3A_395 = arith.subf %add3A_394, %add3A_391 : vector<16xf32>
        %mul3A_396 = arith.mulf %get3A_260, %sub3A_395 : vector<16xf32>
        %add3A_397 = arith.addf %add3A_391, %mul3A_396 : vector<16xf32>
        %mul3A_398 = arith.constant 5.19229686E+33 : f32
        %mul3A_399 = vector.broadcast %mul3A_398 : f32 to vector<16xf32>
        %mul3A_400 = arith.mulf %add3A_397, %mul3A_399 : vector<16xf32>
        %swap3A_401 = arith.index_cast %mul3A_256 : i32 to index
        %swap3A_402 = tpu.vector_load %arg36[%swap3A_401] {strides = array<i32>} : memref<4096xf32, #tpu.memory_space<vmem>>, vector<16xf32>,
        tpu.vector_store %arg36[%swap3A_401], %mul3A_400 {strides = array<i32>} : memref<4096xf32, #tpu.memory_space<vmem>>, vector<16xf32>,
        %sub3A_403 = arith.subf %bitcast3A_355, %bitcast3A_354 : vector<16xf32>
        %mul3A_404 = arith.mulf %get3A_258, %sub3A_403 : vector<16xf32>
        %add3A_405 = arith.addf %bitcast3A_354, %mul3A_404 : vector<16xf32>
        %sub3A_406 = arith.subf %bitcast3A_374, %bitcast3A_373 : vector<16xf32>
        %mul3A_407 = arith.mulf %get3A_258, %sub3A_406 : vector<16xf32>
        %add3A_408 = arith.addf %bitcast3A_373, %mul3A_407 : vector<16xf32>
        %sub3A_409 = arith.subf %add3A_408, %add3A_405 : vector<16xf32>
        %mul3A_410 = arith.mulf %get3A_260, %sub3A_409 : vector<16xf32>
        %add3A_411 = arith.addf %add3A_405, %mul3A_410 : vector<16xf32>
        %mul3A_412 = arith.constant 5.19229686E+33 : f32
        %mul3A_413 = vector.broadcast %mul3A_412 : f32 to vector<16xf32>
        %mul3A_414 = arith.mulf %add3A_411, %mul3A_413 : vector<16xf32>
        %swap3A_415 = arith.index_cast %mul3A_256 : i32 to index
        %swap3A_416 = tpu.vector_load %arg37[%swap3A_415] {strides = array<i32>} : memref<4096xf32, #tpu.memory_space<vmem>>, vector<16xf32>,
        tpu.vector_store %arg37[%swap3A_415], %mul3A_414 {strides = array<i32>} : memref<4096xf32, #tpu.memory_space<vmem>>, vector<16xf32>,
        %scan3A_417 = arith.constant 0 : i32
        scf.yield %scan3A_417 : i32
      }
      %scan3A_93 = arith.constant 256 : i32
      "tpu.region"() ({
        %run_scoped3A = tpu.sem_alloc : memref<!tpu.dma_semaphore, #tpu.memory_space<semaphore_mem>>
        %dma_start3A_95 = tpu.memref_slice %arg6[%add3A_35] : memref<1048576xf32, #tpu.memory_space<hbm>> -> memref<4096xf32, #tpu.memory_space<hbm>>
        %dma_start3A_96 = tpu.memref_slice %arg6[%add3A_35] : memref<1048576xf32, #tpu.memory_space<hbm>> -> memref<4096xf32, #tpu.memory_space<hbm>>
        tpu.enqueue_dma source(%arg35 : memref<4096xf32, #tpu.memory_space<vmem>>) target(%dma_start3A_96 : memref<4096xf32, #tpu.memory_space<hbm>>) target_semaphore(%run_scoped3A : memref<!tpu.dma_semaphore, #tpu.memory_space<semaphore_mem>>)
        %dma_wait3A_97 = tpu.memref_slice %arg6[%add3A_35] : memref<1048576xf32, #tpu.memory_space<hbm>> -> memref<4096xf32, #tpu.memory_space<hbm>>
        %dma_wait3A_98 = tpu.memref_slice %arg6[%add3A_35] : memref<1048576xf32, #tpu.memory_space<hbm>> -> memref<4096xf32, #tpu.memory_space<hbm>>
        tpu.wait_dma2 semaphore(%run_scoped3A : memref<!tpu.dma_semaphore, #tpu.memory_space<semaphore_mem>>) src(%arg35 : memref<4096xf32, #tpu.memory_space<vmem>>) dst(%dma_wait3A_98 : memref<4096xf32, #tpu.memory_space<hbm>>)
        tpu.yield
      }) : () -> ()
      "tpu.region"() ({
        %run_scoped3A = tpu.sem_alloc : memref<!tpu.dma_semaphore, #tpu.memory_space<semaphore_mem>>
        %dma_start3A_95 = tpu.memref_slice %arg7[%add3A_35] : memref<1048576xf32, #tpu.memory_space<hbm>> -> memref<4096xf32, #tpu.memory_space<hbm>>
        %dma_start3A_96 = tpu.memref_slice %arg7[%add3A_35] : memref<1048576xf32, #tpu.memory_space<hbm>> -> memref<4096xf32, #tpu.memory_space<hbm>>
        tpu.enqueue_dma source(%arg36 : memref<4096xf32, #tpu.memory_space<vmem>>) target(%dma_start3A_96 : memref<4096xf32, #tpu.memory_space<hbm>>) target_semaphore(%run_scoped3A : memref<!tpu.dma_semaphore, #tpu.memory_space<semaphore_mem>>)
        %dma_wait3A_97 = tpu.memref_slice %arg7[%add3A_35] : memref<1048576xf32, #tpu.memory_space<hbm>> -> memref<4096xf32, #tpu.memory_space<hbm>>
        %dma_wait3A_98 = tpu.memref_slice %arg7[%add3A_35] : memref<1048576xf32, #tpu.memory_space<hbm>> -> memref<4096xf32, #tpu.memory_space<hbm>>
        tpu.wait_dma2 semaphore(%run_scoped3A : memref<!tpu.dma_semaphore, #tpu.memory_space<semaphore_mem>>) src(%arg36 : memref<4096xf32, #tpu.memory_space<vmem>>) dst(%dma_wait3A_98 : memref<4096xf32, #tpu.memory_space<hbm>>)
        tpu.yield
      }) : () -> ()
      "tpu.region"() ({
        %run_scoped3A = tpu.sem_alloc : memref<!tpu.dma_semaphore, #tpu.memory_space<semaphore_mem>>
        %dma_start3A_95 = tpu.memref_slice %arg8[%add3A_35] : memref<1048576xf32, #tpu.memory_space<hbm>> -> memref<4096xf32, #tpu.memory_space<hbm>>
        %dma_start3A_96 = tpu.memref_slice %arg8[%add3A_35] : memref<1048576xf32, #tpu.memory_space<hbm>> -> memref<4096xf32, #tpu.memory_space<hbm>>
        tpu.enqueue_dma source(%arg37 : memref<4096xf32, #tpu.memory_space<vmem>>) target(%dma_start3A_96 : memref<4096xf32, #tpu.memory_space<hbm>>) target_semaphore(%run_scoped3A : memref<!tpu.dma_semaphore, #tpu.memory_space<semaphore_mem>>)
        %dma_wait3A_97 = tpu.memref_slice %arg8[%add3A_35] : memref<1048576xf32, #tpu.memory_space<hbm>> -> memref<4096xf32, #tpu.memory_space<hbm>>
        %dma_wait3A_98 = tpu.memref_slice %arg8[%add3A_35] : memref<1048576xf32, #tpu.memory_space<hbm>> -> memref<4096xf32, #tpu.memory_space<hbm>>
        tpu.wait_dma2 semaphore(%run_scoped3A : memref<!tpu.dma_semaphore, #tpu.memory_space<semaphore_mem>>) src(%arg37 : memref<4096xf32, #tpu.memory_space<vmem>>) dst(%dma_wait3A_98 : memref<4096xf32, #tpu.memory_space<hbm>>)
        tpu.yield
      }) : () -> ()
      %scan3A_94 = arith.constant 0 : i32
      scf.yield %scan3A_94 : i32
    }
    %scan3A_26 = arith.constant 4 : i32
    return
  }
}

</mosaic_0001>

<sc_bundles>
// kernel: kernel.3.cloned.1.call-start
scs
__scs_entry_jumppad:
0x0: {  	(pc) =	sbr.rel $0x88, $3  }
0x1: {  	(tag) =	ssettag $0x0;
	lr =	simm.s32 $0x1  }
0x2: {  	[smem:$0x3F9F] =	sst lr;
	_ =	strace $0xD0000000  }
0x3: {  	_ = 	snop  }
0x4: {  	_ = 	snop  }
0x5: {  	_ = 	snop  }
0x6: {  	_ = 	snop  }
0x7: {  	_ = 	snop  }
__scs_overlays_trampoline_lowered:
0x8: {  	[smem:$0x3FAE] =	sst s0  }
0x9: {  	[smem:$0x3FAF] =	sst s1  }
0xa: {  	[smem:$0x3FB0] =	sst s2  }
0xb: {  	[smem:$0x3FB1] =	sst s3  }
0xc: {  	[smem:$0x3FB2] =	sst s4  }
0xd: {  	[smem:$0x3FB3] =	sst s5  }
0xe: {  	[smem:$0x3FB4] =	sst s6  }
0xf: {  	[smem:$0x3FB5] =	sst s7  }
0x10: {  	[smem:$0x3FB6] =	sst s8  }
0x11: {  	[smem:$0x3FB7] =	sst s9;
	s0 =	simm.s32 @!p0 $0x0  }
0x12: {  	s1 =	sld [smem:$0x3F9D];
	s0 =	simm.s32 @p0 $0x1  }
0x13: {  	[smem:$0x3FB8] =	sst s0;
	s0 =	simm.s32 @!p1 $0x0  }
0x14: {  	s2 =	sld [smem:$0x3F9C];
	s0 =	simm.s32 @p1 $0x1  }
0x15: {  	[smem:$0x3FB9] =	sst s0;
	s0 =	simm.s32 @!p2 $0x0  }
0x16: {  	s3 =	sld [smem:$0x3FDB];
	s0 =	simm.s32 @p2 $0x1  }
0x17: {  	s4 =	simm.s32 $0x1BF5;
	[smem:$0x3FBB] =	sst s0  }
0x18: {  	s0 =	sld [smem:$0x3F9E];
	_ =	swait.ge [sflag:s4], $0x0  }
0x19: {  	s7 =	sld [smem:$0x3F9F]  }
0x1a: {  	s8 =	sadd.s32 $0xFFFFE003, lr  }
0x1b: {  	s9 =	sadd.s32 $0xFFFFFEF7, lr;
	s5 =	simm.s32 $0xFFFFFFFF;
	p2 =	slt.u32 s8, $0xFFFFF086  }
0x1c: {  	p1 =	slt.u32 s9, $0xF7A;
	s5 =	simm.s32 @!p2 $0x0  }
0x1d: {  	s5 =	simm.s32 @p1 $0x1;
	p0 =	seq.s32 s7, s2  }
0x1e: {  	s7 =	smul.u32 @!p0 $0xF7A, s2;
	p2 =	seq.s32 @!p0 s5, $0x0  }
0x1f: {  	s9 =	smul.u32 $0xF7A, s1;
	s8 =	simm.s32 @!p0 $0x1BF5;
	p2 =	por !p2, p0  }
0x20: {  	[sflag:s8] =	ssyncset.s32 @!p0 $0xFFFFF086;
	s6 =	sadd.s32 @!p0 s3, s7;
	s7 =	simm.s32 @!p0 $0x108  }
0x21: {  	s3 =	sadd.s32 s3, s9;
	s6 =	sadd.s32 @!p0 $0x88, s6;
	s7 =	simm.s32 @p2 $0x1082  }
0x22: {  	[simem:s7], [sflag:s8] =	dma.local @!p0 [hbm:s6], $0xF7A  }
0x23: {  	s9 =	sor.u32 $0xD0000000, s2;
	s6 =	simm.s32 $0x108;
	_ =	swait.ge @!p0 [sflag:s8], $0x0  }
0x24: {  	s3 =	sadd.s32 $0x88, s3;
	s6 =	simm.s32 @!p1 $0x1082;
	[sflag:s4] =	ssyncset.s32 $0xFFFFF086  }
0x25: {  	[simem:s6], [sflag:s4] =	dma.local [hbm:s3], $0xF7A  }
0x26: {  	[smem:$0x3F9F] =	sst s1;
	(tag) =	ssettag s2;
	_ =	strace s9  }
0x27: {  	s1 =	sld [smem:$0x3FAF]  }
0x28: {  	s2 =	sld [smem:$0x3FB0]  }
0x29: {  	s4 =	sld [smem:$0x3FB2]  }
0x2a: {  	p0 =	seq.s32 s5, $0x0;
	s5 =	sld [smem:$0x3FB3]  }
0x2b: {  	s6 =	sld [smem:$0x3FB4]  }
0x2c: {  	s7 =	sld [smem:$0x3FB5]  }
0x2d: {  	s3 =	simm.s32 $0x108;
	s8 =	sld [smem:$0x3FB6]  }
0x2e: {  	s3 =	simm.s32 @!p0 $0x1082;
	s9 =	sld [smem:$0x3FB7]  }
0x2f: {  	lr =	sadd.s32 s0, s3;
	s0 =	sld [smem:$0x3FAE]  }
0x30: {  	s3 =	sld [smem:$0x3FB1]  }
0x31: {  	[smem:$0x3FBA] =	sst s10  }
0x32: {  	s10 =	sld [smem:$0x3FB8];
	_ =	sdelay $0x3  }
0x33: {  	p0 =	seq.s32 s10, $0x1;
	s10 =	sld [smem:$0x3FBA];
	_ =	sdelay $0x3  }
0x34: {  	[smem:$0x3FBA] =	sst s10  }
0x35: {  	s10 =	sld [smem:$0x3FB9];
	_ =	sdelay $0x3  }
0x36: {  	p1 =	seq.s32 s10, $0x1;
	s10 =	sld [smem:$0x3FBA];
	_ =	sdelay $0x3  }
0x37: {  	[smem:$0x3FBA] =	sst s10  }
0x38: {  	s10 =	sld [smem:$0x3FBB]  }
0x39: {  	_ = 	snop;
	(pc) =	sbr.ind lr, $3  }
0x3a: {  	_ = 	snop  }
0x3b: {  	_ = 	snop  }
0x3c: {  	p2 =	seq.s32 s10, $0x1;
	s10 =	sld [smem:$0x3FBA]  }
0x3d: {  	_ =	shalt  }
0x3e: {  	_ =	shalt  }
0x3f: {  	_ =	shalt  }
0x40: {  	_ =	shalt  }
0x41: {  	_ =	shalt  }
0x42: {  	_ =	shalt  }
0x43: {  	_ =	shalt  }
0x44: {  	_ =	shalt  }
0x45: {  	_ =	shalt  }
0x46: {  	_ =	shalt  }
0x47: {  	_ =	shalt  }
0x48: {  	_ =	shalt  }
0x49: {  	_ =	shalt  }
0x4a: {  	_ =	shalt  }
0x4b: {  	_ =	shalt  }
0x4c: {  	_ =	shalt  }
0x4d: {  	_ =	shalt  }
0x4e: {  	_ =	shalt  }
0x4f: {  	_ =	shalt  }
0x50: {  	_ =	shalt  }
0x51: {  	_ =	shalt  }
0x52: {  	_ =	shalt  }
0x53: {  	_ =	shalt  }
0x54: {  	_ =	shalt  }
0x55: {  	_ =	shalt  }
0x56: {  	_ =	shalt  }
0x57: {  	_ =	shalt  }
0x58: {  	_ =	shalt  }
0x59: {  	_ =	shalt  }
0x5a: {  	_ =	shalt  }
0x5b: {  	_ =	shalt  }
0x5c: {  	_ =	shalt  }
0x5d: {  	_ =	shalt  }
0x5e: {  	_ =	shalt  }
0x5f: {  	_ =	shalt  }
0x60: {  	_ =	shalt  }
0x61: {  	_ =	shalt  }
0x62: {  	_ =	shalt  }
0x63: {  	_ =	shalt  }
0x64: {  	_ =	shalt  }
0x65: {  	_ =	shalt  }
0x66: {  	_ =	shalt  }
0x67: {  	_ =	shalt  }
0x68: {  	_ =	shalt  }
0x69: {  	_ =	shalt  }
0x6a: {  	_ =	shalt  }
0x6b: {  	_ =	shalt  }
0x6c: {  	_ =	shalt  }
0x6d: {  	_ =	shalt  }
0x6e: {  	_ =	shalt  }
0x6f: {  	_ =	shalt  }
0x70: {  	_ =	shalt  }
0x71: {  	_ =	shalt  }
0x72: {  	_ =	shalt  }
0x73: {  	_ =	shalt  }
0x74: {  	_ =	shalt  }
0x75: {  	_ =	shalt  }
0x76: {  	_ =	shalt  }
0x77: {  	_ =	shalt  }
0x78: {  	_ =	shalt  }
0x79: {  	_ =	shalt  }
0x7a: {  	_ =	shalt  }
0x7b: {  	_ =	shalt  }
0x7c: {  	_ =	shalt  }
0x7d: {  	_ =	shalt  }
0x7e: {  	_ =	shalt  }
0x7f: {  	_ =	shalt  }
0x80: {  	_ =	shalt  }
0x81: {  	_ =	shalt  }
0x82: {  	_ =	shalt  }
0x83: {  	_ =	shalt  }
0x84: {  	_ =	shalt  }
0x85: {  	_ =	shalt  }
0x86: {  	_ =	shalt  }
0x87: {  	_ =	shalt  }
.Lfunc_end0:
.L_simem_size_0:
called_computation_lowered:
.L_overlay_start_0:
0x88: {  	s2 =	sld [smem:$0x3FD9]  }
0x89: {  	s3 =	sld [smem:$0x3FFE];
	_ =	sdelay $0x1  }
0x8a: {  	s1 =	srdreg.scid  }
0x8b: {  	s0 =	sand.u32 $0x1, s1  }
0x8c: {  	s17 =	sshll.u32 s0, $0xA;
	s2 =	sadd.s32 s3, s2  }
0x8d: {  	s2 =	sadd.s32 s2, s17  }
0x8e: {  	[smem:$0x3FC6] =	sst s2  }
0x8f: {  	_ = 	snop  }
0x90: {  	s2 =	sld [smem:$0x3FD0];
	(tm) =	ssettm $0x1  }
0x91: {  	s18 =	sld [smem:$0x3FFB];
	_ =	sdelay $0x3  }
0x92: {  	_ =	strace s18  }
0x93: {  	s3 =	sld [smem:$0x3FFC];
	_ =	sdelay $0x3  }
0x94: {  	_ =	strace s3  }
0x95: {  	s3 =	sld [smem:$0x3FFD];
	_ =	sdelay $0x3  }
0x96: {  	_ =	strace s3  }
0x97: {  	_ =	strace $0x8FFFFFFF  }
0x98: {  	s19 =	sld [smem:$0x3FDB];
	_ =	sdelay $0x1  }
0x99: {  	s4 =	simm.s32 $_scs_section_size  }
0x9a: {  	s5 =	simm.s32 $_size__tile_overlayer_lowered;
	s6 =	simm.s32 $_tile_overlayer_lowered  }
0x9b: {  	s22 =	simm.s32 $0x1BFF;
	s21 =	sshll.u32 s6, $0x1;
	s3 =	sadd.s32 s4, s19  }
0x9c: {  	s7 =	simm.s32 $0x0;
	s20 =	sshll.u32 s5, $0x1;
	s5 =	sadd.s32 s21, s3  }
0x9d: {  	[timem:s7], [sflag:s22] =	dma.local [hbm:s5], s20  }
0x9e: {  	_ =	swait.ge [sflag:s22], s20  }
0x9f: {  	s4 =	ssub.s32 $0x0, s20;
	[sflag:s22] =	ssyncset.done $0x0  }
0xa0: {  	[sflag:s22] =	ssyncadd.s32 s4;
	_ =	sdelay $0x1  }
0xa1: {  	s23 =	simm.s32 $0x1B8B  }
0xa2: {  	_ =	swait.ge [sflag:s23], $0x1  }
0xa3: {  	[sflag:s23] =	ssyncset.done $0x0  }
0xa4: {  	s25 =	simm.s32 $0x1B8E;
	s24 =	sld [smem:$0x3FFE];
	[sflag:s23] =	ssyncadd.s32 $0xFFFFFFFF  }
0xa5: {  	s26 =	simm.s32 $execute0_lowered;
	[smem:$0x3FD2] =	sst s25  }
0xa6: {  	s5 =	sshll.u32 s26, $0x1;
	_ =	strace $0x80000046;
	[dreg:$0x1] =	wrdreg $0xFFFFFFFF  }
0xa7: {  	s28 =	simm.s32 $_size_execute0_lowered;
	s3 =	sadd.s32 s3, s5;
	[dreg:$0x0] =	wrdreg $0x0  }
0xa8: {  	s5 =	sshll.u32 s28, $0x1;
	[dreg:$0x2] =	wrdreg s3  }
0xa9: {  	[dreg:$0x3] =	wrdreg s5  }
0xaa: {  	[dreg:$0x4] =	wrdreg $0xC0  }
0xab: {  	_ =	task [dreg:s7], $0x5FFFF  }
0xac: {  	[dreg:$0x1] =	wrdreg $0xFFFFFFFF  }
0xad: {  	[dreg:$0x0] =	wrdreg $0x60  }
0xae: {  	[dreg:$0x2] =	wrdreg s24  }
0xaf: {  	[dreg:$0x3] =	wrdreg s2  }
0xb0: {  	[dreg:$0x4] =	wrdreg $0x9  }
0xb1: {  	_ =	task.clear_ibuf [dreg:s7], $0x5FFFF;
	_ =	strace $0x90000046  }
0xb2: {  	s29 =	simm.s32 $0x9;
	_ =	strace $0x80000048  }
0xb3: {  	_ =	swait.ge [sflag:s29], $0x1  }
0xb4: {  	[sflag:s29] =	ssyncadd.s32 $0xFFFFFFFF  }
0xb5: {  	_ =	strace $0x90000048  }
0xb6: {  	_ =	sfence  }
0xb7: {  	s30 =	sld [smem:$0x0];
	_ =	sdelay $0x2  }
0xb8: {  	s31 =	sshll.u32 s1, $0xD;
	s1 =	sshrl.u32 s1, $0x2  }
0xb9: {  	s3 =	sand.u32 $0x4000, s31;
	s1 =	sadd.s32 s1, s30  }
0xba: {  	s0 =	sor.u32 s3, s0;
	s1 =	sshll.u32 s1, $0x11  }
0xbb: {  	s0 =	sor.u32 s1, s0  }
0xbc: {  	s0 =	sadd.s32 $0x8F2B, s0  }
0xbd: {  	[sflag:s0] =	ssyncadd.remote.s32 $0x1  }
0xbe: {  	_ =	sfence.sel $0xFFFF  }
0xbf: {  	[dreg:$0x0] =	wrdreg $0xFFFFFFFF;
	(pc) =	sbr.abs _section_cstart, $3  }
0xc0: {  	[dreg:$0x1] =	wrdreg $0xFFFFFFFF  }
0xc1: {  	_ =	task.clear_ibuf [dreg:s7], $0x2FFFF;
	_ =	strace $0x9FFFFFFF  }
0xc2: {  	(tm) =	ssettm $0x7FFFFFFF  }
0xc3: {  	_ =	shalt  }
tec
execute0_lowered:
.L_overlay_start_1:
0x0: {  	(tag) =	ssettag $0x1  }
0x1: {  	s0 =	rddreg [dreg:$0x0]  }
0x2: {  	s1 =	rddreg [dreg:$0x1];
	s2 =	simm.s32 $0x0;
	s3 =	srdreg.scid  }
0x3: {  	s7 =	stileid.u32;
	s14 =	simm.s32 $0x3;
	s15 =	simm.s32 $0x1000  }
0x4: {  	s31 =	simm.s32 $0xC000;
	s17 =	simm.s32 $0x1;
	s18 =	simm.s32 $0x1A000  }
0x5: {  	s19 =	simm.s32 $0x1B000;
	s21 =	simm.s32 $0x1C000;
	[smem:$0x7FF] =	sst s2  }
0x6: {  	s4 =	sadd.s32 $0x61200, s0;
	s5 =	sadd.s32 $0x41200, s0;
	s3 =	sand.u32 $0x1, s3  }
0x7: {  	s6 =	sadd.s32 $0x81200, s0;
	s8 =	sshll.u32 s7, $0x10;
	s9 =	sshll.u32 s3, $0xF  }
0x8: {  	s7 =	sadd.s32 $0x1200, s0;
	_ =	strace $0x80000047;
	s10 =	sor.u32 s9, s8  }
0x9: {  	s3 =	ssub.s32 $0x2, s3;
	s9 =	sadd.s32 $0x21200, s0;
	s11 =	sshrl.u32 s10, $0x3  }
0xa: {  	s26 =	sshrl.u32 s3, $0x1;
	[dreg:$0x3] =	wrdreg s10;
	s29 =	sadd.s32 s4, s11  }
0xb: {  	s28 =	ssub.s32 s3, s26;
	s30 =	sadd.s32 s5, s11;
	[dreg:$0x4] =	wrdreg s29  }
0xc: {  	s10 =	sadd.s32 $0x101200, s0;
	s0 =	smax.u32 s28, $0x1;
	[dreg:$0x5] =	wrdreg s30  }
0xd: {  	s22 =	simm.s32 $0x2;
	s3 =	simm.s32 $0x0;
	[dreg:$0x6] =	wrdreg s0  }
.LBB2_1:
0xe: {  	[dreg:$0x7] =	wrdreg s3  }
0xf: {  	s0 =	rddreg [dreg:$0x4]  }
0x10: {  	[tilespmem:s2], [sflag:$0x3] =	stream.linear.gather [hbm4b:s0+s2], $0x1000, $0x38;
	[tilespmem:$0x1D000] =	vst v63  }
0x11: {  	_ =	swait.ge [sflag:s14], $0x1000  }
0x12: {  	[sflag:s14] =	ssyncset.done $0x0  }
0x13: {  	s30 =	rddreg [dreg:$0x5];
	[sflag:s14] =	ssyncadd.s32 $0xFFFFF000  }
0x14: {  	[tilespmem:s15], [sflag:$0x3] =	stream.linear.gather [hbm4b:s30+s2], $0x1000, $0x38;
	[tilespmem:$0x1D000] =	vst v63  }
0x15: {  	_ =	swait.ge [sflag:s14], $0x1000  }
0x16: {  	[sflag:s14] =	ssyncset.done $0x0  }
0x17: {  	s23 =	simm.s32 $0x1010;
	[sflag:s14] =	ssyncadd.s32 $0xFFFFF000  }
0x18: {  	s24 =	simm.s32 $0x10;
	v0 =	vld [tilespmem:s23+$0xFFFFFFF0]  }
0x19: {  	v1 =	vld [tilespmem:s24+$0xFFFFFFF0];
	_ =	sdelay $0x4  }
0x1a: {  	v0 =	vmul.f32 $2.048000000e+03, v0;
	v1 =	vmul.f32 $2.048000000e+03, v1;
	_ =	sdelay $0x1  }
0x1b: {  	v2 =	vtrunc.f32 v0;
	v3 =	vtrunc.f32 v1  }
0x1c: {  	v2 =	vcvt.f32.s32 v2;
	v3 =	vcvt.f32.s32 v3;
	_ =	sdelay $0x1  }
0x1d: {  	vm0 =	vlt.s32 v2, $0x7FF;
	vm1 =	vlt.s32 v2, $0x7FE;
	vm2 =	vlt.s32 v3, $0x7FF  }
0x1e: {  	vm11 =	vlt.s32 v3, $0x7FE;
	v4 =	vnsel vm0, $0x7FF, v2;
	v5 =	vnsel vm1, $0x7FE, v2  }
0x1f: {  	v6 =	vnsel vm2, $0x7FF, v3;
	v7 =	vnsel vm11, $0x7FE, v3;
	v4 =	vshll.u32 v4, $0xB  }
0x20: {  	s8 =	simm.s32 $0x6010;
	v5 =	vshll.u32 v5, $0xB;
	v7 =	vadd.s32 $0x1, v7;
	v8 =	vadd.s32 v6, v4  }
0x21: {  	s11 =	simm.s32 $0x7010;
	v3 =	vcvt.s32.f32 v3;
	v5 =	vadd.s32 $0x800, v5;
	v4 =	vadd.s32 v7, v4;
	[tilespmem:s8+$0xFFFFFFF0] =	vst v8  }
0x22: {  	s16 =	simm.s32 $0x8010;
	v2 =	vcvt.s32.f32 v2;
	v6 =	vadd.s32 v6, v5;
	[tilespmem:s11+$0xFFFFFFF0] =	vst v4  }
0x23: {  	s25 =	simm.s32 $0x9010;
	v1 =	vsub.f32 v1, v3;
	v57 =	vadd.s32 v7, v5;
	[tilespmem:s16+$0xFFFFFFF0] =	vst v6  }
0x24: {  	s0 =	simm.s32 $0x2010;
	v0 =	vsub.f32 v0, v2;
	[tilespmem:s25+$0xFFFFFFF0] =	vst v57  }
0x25: {  	s28 =	simm.s32 $0x4010;
	[tilespmem:s0+$0xFFFFFFF0] =	vst v1  }
0x26: {  	[tilespmem:s28+$0xFFFFFFF0] =	vst v0  }
0x27: {  	v0 =	vld [tilespmem:s24+$0x0]  }
0x28: {  	v1 =	vld [tilespmem:s23+$0x0];
	_ =	sdelay $0x3  }
0x29: {  	v0 =	vmul.f32 $2.048000000e+03, v0  }
0x2a: {  	v2 =	vmul.f32 $2.048000000e+03, v1  }
0x2b: {  	v1 =	vtrunc.f32 v0  }
0x2c: {  	v3 =	vtrunc.f32 v2;
	v1 =	vcvt.f32.s32 v1  }
0x2d: {  	v3 =	vcvt.f32.s32 v3  }
0x2e: {  	v58 =	vcvt.s32.f32 v1  }
0x2f: {  	vm12 =	vlt.s32 v1, $0x7FF;
	vm13 =	vlt.s32 v1, $0x7FE;
	vm14 =	vlt.s32 v3, $0x7FF  }
0x30: {  	vm15 =	vlt.s32 v3, $0x7FE;
	v59 =	vnsel vm12, $0x7FF, v1;
	v60 =	vnsel vm14, $0x7FF, v3  }
0x31: {  	v1 =	vnsel vm13, $0x7FE, v1;
	v61 =	vnsel vm15, $0x7FE, v3;
	v6 =	vshll.u32 v60, $0xB  }
0x32: {  	v62 =	vadd.s32 $0x1, v1;
	v1 =	vshll.u32 v61, $0xB;
	v63 =	vadd.s32 v59, v6  }
0x33: {  	s3 =	simm.s32 $0x0;
	v3 =	vcvt.s32.f32 v3;
	v6 =	vadd.s32 v62, v6;
	v9 =	vadd.s32 $0x800, v1;
	[tilespmem:s8+$0x0] =	vst v63  }
0x34: {  	s12 =	simm.s32 $0x2030;
	s13 =	simm.s32 $0x4030;
	s20 =	simm.s32 $0x7030;
	v5 =	vadd.s32 v59, v9;
	[tilespmem:s11+$0x0] =	vst v6  }
0x35: {  	v1 =	vsub.f32 v0, v58;
	v0 =	vsub.f32 v2, v3;
	v2 =	vadd.s32 v62, v9;
	s8 =	simm.s32 $0x8030;
	s11 =	simm.s32 $0x9030;
	[tilespmem:s16+$0x0] =	vst v5;
	s16 =	simm.s32 $0x6030  }
.LBB2_2:
0x36: {  	s3 =	sadd.s32 $0x2, s3;
	[tilespmem:s25+$0x0] =	vst v2;
	s24 =	sadd.s32 $0x20, s24;
	s23 =	sadd.s32 $0x20, s23  }
0x37: {  	s25 =	smov.u32 s11;
	p0 =	slt.u32 s3, $0xFE;
	[tilespmem:s0+$0x0] =	vst v1;
	s0 =	smov.u32 s12  }
0x38: {  	[tilespmem:s28+$0x0] =	vst v0;
	s28 =	smov.u32 s13  }
0x39: {  	v0 =	vld [tilespmem:s23+$0xFFFFFFF0]  }
0x3a: {  	v1 =	vld [tilespmem:s24+$0xFFFFFFF0];
	_ =	sdelay $0x3  }
0x3b: {  	v0 =	vmul.f32 $2.048000000e+03, v0  }
0x3c: {  	v1 =	vmul.f32 $2.048000000e+03, v1  }
0x3d: {  	v2 =	vtrunc.f32 v0  }
0x3e: {  	v3 =	vtrunc.f32 v1;
	v2 =	vcvt.f32.s32 v2  }
0x3f: {  	v3 =	vcvt.f32.s32 v3  }
0x40: {  	v4 =	vcvt.s32.f32 v2;
	vm0 =	vlt.s32 v2, $0x7FF;
	vm1 =	vlt.s32 v2, $0x7FE  }
0x41: {  	vm2 =	vlt.s32 v3, $0x7FF;
	v5 =	vnsel vm0, $0x7FF, v2;
	v2 =	vnsel vm1, $0x7FE, v2  }
0x42: {  	vm0 =	vlt.s32 v3, $0x7FE;
	v6 =	vnsel vm2, $0x7FF, v3;
	v5 =	vshll.u32 v5, $0xB  }
0x43: {  	v7 =	vnsel vm0, $0x7FE, v3;
	v2 =	vshll.u32 v2, $0xB;
	v8 =	vadd.s32 v6, v5  }
0x44: {  	v3 =	vcvt.s32.f32 v3;
	v7 =	vadd.s32 $0x1, v7;
	v2 =	vadd.s32 $0x800, v2;
	[tilespmem:s16+$0xFFFFFFF0] =	vst v8  }
0x45: {  	v5 =	vadd.s32 v7, v5;
	v6 =	vadd.s32 v6, v2;
	v2 =	vadd.s32 v7, v2  }
0x46: {  	v0 =	vsub.f32 v0, v4;
	v1 =	vsub.f32 v1, v3;
	[tilespmem:s20+$0xFFFFFFF0] =	vst v5  }
0x47: {  	[tilespmem:s8+$0xFFFFFFF0] =	vst v6  }
0x48: {  	[tilespmem:s11+$0xFFFFFFF0] =	vst v2  }
0x49: {  	[tilespmem:s12+$0xFFFFFFF0] =	vst v1  }
0x4a: {  	[tilespmem:s13+$0xFFFFFFF0] =	vst v0  }
0x4b: {  	v0 =	vld [tilespmem:s24+$0x0]  }
0x4c: {  	v1 =	vld [tilespmem:s23+$0x0];
	_ =	sdelay $0x3  }
0x4d: {  	v0 =	vmul.f32 $2.048000000e+03, v0  }
0x4e: {  	v2 =	vmul.f32 $2.048000000e+03, v1  }
0x4f: {  	v1 =	vtrunc.f32 v0  }
0x50: {  	v1 =	vcvt.f32.s32 v1;
	v3 =	vtrunc.f32 v2  }
0x51: {  	v3 =	vcvt.f32.s32 v3  }
0x52: {  	v4 =	vcvt.s32.f32 v1;
	vm0 =	vlt.s32 v1, $0x7FF;
	vm1 =	vlt.s32 v1, $0x7FE  }
0x53: {  	v5 =	vnsel vm0, $0x7FF, v1;
	vm0 =	vlt.s32 v3, $0x7FF;
	v1 =	vnsel vm1, $0x7FE, v1  }
0x54: {  	v6 =	vnsel vm0, $0x7FF, v3;
	v7 =	vadd.s32 $0x1, v1;
	vm0 =	vlt.s32 v3, $0x7FE  }
.Ltmp0:
0x55: {  	v8 =	vcvt.s32.f32 v3;
	v1 =	vnsel vm0, $0x7FE, v3;
	v3 =	vshll.u32 v6, $0xB;
	(pc) =	sbr.rel @p0 .LBB2_2-.Ltmp0, $4  }
0x56: {  	v6 =	vshll.u32 v1, $0xB;
	v9 =	vadd.s32 v5, v3;
	v3 =	vadd.s32 v7, v3  }
0x57: {  	v1 =	vsub.f32 v0, v4;
	v0 =	vsub.f32 v2, v8;
	v2 =	vadd.s32 $0x800, v6;
	[tilespmem:s16+$0x0] =	vst v9  }
0x58: {  	s11 =	sadd.s32 $0x20, s11;
	s12 =	sadd.s32 $0x20, s12;
	s13 =	sadd.s32 $0x20, s13;
	[tilespmem:s20+$0x0] =	vst v3;
	v3 =	vadd.s32 v5, v2;
	v2 =	vadd.s32 v7, v2  }
0x59: {  	s16 =	sadd.s32 $0x20, s16;
	s20 =	sadd.s32 $0x20, s20;
	[tilespmem:s8+$0x0] =	vst v3;
	s8 =	sadd.s32 $0x20, s8  }
0x5a: {  	[tilespmem:s25+$0x0] =	vst v2  }
0x5b: {  	[tilespmem:s0+$0x0] =	vst v1  }
0x5c: {  	s23 =	simm.s32 $0x6000;
	s3 =	simm.s32 $0xE000;
	[tilespmem:s28+$0x0] =	vst v0  }
0x5d: {  	[tilespmem:s3], [sflag:$0x1] =	stream.indirect.gather [hbm4b:s6+s15], $0x1, s23, s15, $0xb8;
	[tilespmem:$0x1D000] =	vst v63  }
0x5e: {  	s24 =	simm.s32 $0x7000;
	s8 =	simm.s32 $0xF000  }
0x5f: {  	[tilespmem:s8], [sflag:$0x1] =	stream.indirect.gather [hbm4b:s6+s15], $0x1, s24, s15, $0xb8;
	[tilespmem:$0x1D000] =	vst v63  }
0x60: {  	s25 =	simm.s32 $0x8000;
	s26 =	simm.s32 $0x10000  }
0x61: {  	[tilespmem:s26], [sflag:$0x1] =	stream.indirect.gather [hbm4b:s6+s15], $0x1, s25, s15, $0xb8;
	[tilespmem:$0x1D000] =	vst v63  }
0x62: {  	s11 =	simm.s32 $0x11000;
	s28 =	simm.s32 $0x9000  }
0x63: {  	[tilespmem:s11], [sflag:$0x1] =	stream.indirect.gather [hbm4b:s6+s15], $0x1, s28, s15, $0xb8;
	[tilespmem:$0x1D000] =	vst v63  }
0x64: {  	s29 =	simm.s32 $0x16000  }
0x65: {  	[tilespmem:s29], [sflag:$0x1] =	stream.indirect.gather [hbm4b:s1+s15], $0x1, s23, s15, $0xb8;
	[tilespmem:$0x1D000] =	vst v63  }
0x66: {  	s30 =	simm.s32 $0x17000;
	s23 =	simm.s32 $0x0  }
0x67: {  	[tilespmem:s30], [sflag:$0x1] =	stream.indirect.gather [hbm4b:s1+s15], $0x1, s25, s15, $0xb8;
	[tilespmem:$0x1D000] =	vst v63  }
.LBB2_4:
0x68: {  	s0 =	sshll.u32 s23, $0xD;
	s3 =	rddreg [dreg:$0x3]  }
0x69: {  	s0 =	sadd.s32 s3, s0  }
0x6a: {  	s25 =	sshrl.u32 s0, $0x3  }
0x6b: {  	s24 =	sor.u32 $0x200, s25  }
0x6c: {  	s20 =	sadd.s32 s4, s24  }
0x6d: {  	[tilespmem:s2], [sflag:$0x3] =	stream.linear.gather [hbm4b:s20+s2], $0x1000, $0x38;
	[tilespmem:$0x1D000] =	vst v63  }
0x6e: {  	_ =	swait.ge [sflag:s14], $0x1000  }
0x6f: {  	[sflag:s14] =	ssyncset.done $0x0  }
0x70: {  	s26 =	sadd.s32 s5, s24;
	[sflag:s14] =	ssyncadd.s32 $0xFFFFF000  }
0x71: {  	[tilespmem:s15], [sflag:$0x3] =	stream.linear.gather [hbm4b:s26+s2], $0x1000, $0x38;
	[tilespmem:$0x1D000] =	vst v63  }
0x72: {  	_ =	swait.ge [sflag:s14], $0x1000  }
0x73: {  	[sflag:s14] =	ssyncset.done $0x0  }
0x74: {  	s28 =	simm.s32 $0x1010;
	[sflag:s14] =	ssyncadd.s32 $0xFFFFF000  }
0x75: {  	s29 =	simm.s32 $0x10;
	v0 =	vld [tilespmem:s28+$0xFFFFFFF0]  }
0x76: {  	v1 =	vld [tilespmem:s29+$0xFFFFFFF0];
	_ =	sdelay $0x4  }
0x77: {  	v0 =	vmul.f32 $2.048000000e+03, v0;
	v1 =	vmul.f32 $2.048000000e+03, v1;
	_ =	sdelay $0x1  }
0x78: {  	v2 =	vtrunc.f32 v0;
	v3 =	vtrunc.f32 v1  }
0x79: {  	v2 =	vcvt.f32.s32 v2;
	v3 =	vcvt.f32.s32 v3;
	_ =	sdelay $0x1  }
0x7a: {  	vm0 =	vlt.s32 v2, $0x7FF;
	vm1 =	vlt.s32 v2, $0x7FE;
	vm2 =	vlt.s32 v3, $0x7FF  }
0x7b: {  	vm11 =	vlt.s32 v3, $0x7FE;
	v4 =	vnsel vm0, $0x7FF, v2;
	v5 =	vnsel vm1, $0x7FE, v2  }
0x7c: {  	v6 =	vnsel vm2, $0x7FF, v3;
	v7 =	vnsel vm11, $0x7FE, v3;
	v4 =	vshll.u32 v4, $0xB  }
0x7d: {  	s8 =	simm.s32 $0xA010;
	v5 =	vshll.u32 v5, $0xB;
	v7 =	vadd.s32 $0x1, v7;
	v8 =	vadd.s32 v6, v4  }
0x7e: {  	s12 =	simm.s32 $0xB010;
	v3 =	vcvt.s32.f32 v3;
	v5 =	vadd.s32 $0x800, v5;
	v4 =	vadd.s32 v7, v4;
	[tilespmem:s8+$0xFFFFFFF0] =	vst v8  }
0x7f: {  	s20 =	simm.s32 $0xC010;
	v2 =	vcvt.s32.f32 v2;
	v6 =	vadd.s32 v6, v5;
	[tilespmem:s12+$0xFFFFFFF0] =	vst v4  }
0x80: {  	s30 =	simm.s32 $0xD010;
	v1 =	vsub.f32 v1, v3;
	v57 =	vadd.s32 v7, v5;
	[tilespmem:s20+$0xFFFFFFF0] =	vst v6  }
0x81: {  	s0 =	simm.s32 $0x3010;
	v0 =	vsub.f32 v0, v2;
	[tilespmem:s30+$0xFFFFFFF0] =	vst v57  }
0x82: {  	s3 =	simm.s32 $0x5010;
	[tilespmem:s0+$0xFFFFFFF0] =	vst v1  }
0x83: {  	[tilespmem:s3+$0xFFFFFFF0] =	vst v0  }
0x84: {  	v0 =	vld [tilespmem:s29+$0x0]  }
0x85: {  	v1 =	vld [tilespmem:s28+$0x0];
	_ =	sdelay $0x3  }
0x86: {  	v0 =	vmul.f32 $2.048000000e+03, v0  }
0x87: {  	v2 =	vmul.f32 $2.048000000e+03, v1  }
0x88: {  	v1 =	vtrunc.f32 v0  }
0x89: {  	v3 =	vtrunc.f32 v2;
	v1 =	vcvt.f32.s32 v1  }
0x8a: {  	v3 =	vcvt.f32.s32 v3  }
0x8b: {  	v58 =	vcvt.s32.f32 v1  }
0x8c: {  	vm12 =	vlt.s32 v1, $0x7FF;
	vm13 =	vlt.s32 v1, $0x7FE;
	vm14 =	vlt.s32 v3, $0x7FF  }
0x8d: {  	vm15 =	vlt.s32 v3, $0x7FE;
	v59 =	vnsel vm12, $0x7FF, v1;
	v60 =	vnsel vm14, $0x7FF, v3  }
0x8e: {  	v1 =	vnsel vm13, $0x7FE, v1;
	v61 =	vnsel vm15, $0x7FE, v3;
	v6 =	vshll.u32 v60, $0xB  }
0x8f: {  	v62 =	vadd.s32 $0x1, v1;
	v1 =	vshll.u32 v61, $0xB;
	v63 =	vadd.s32 v59, v6  }
0x90: {  	s11 =	simm.s32 $0x0;
	v3 =	vcvt.s32.f32 v3;
	v6 =	vadd.s32 v62, v6;
	v9 =	vadd.s32 $0x800, v1;
	[tilespmem:s8+$0x0] =	vst v63  }
0x91: {  	s13 =	simm.s32 $0x3030;
	s16 =	simm.s32 $0x5030;
	s26 =	simm.s32 $0xC030;
	v5 =	vadd.s32 v59, v9;
	[tilespmem:s12+$0x0] =	vst v6  }
0x92: {  	v1 =	vsub.f32 v0, v58;
	v0 =	vsub.f32 v2, v3;
	v2 =	vadd.s32 v62, v9;
	s8 =	simm.s32 $0xB030;
	s12 =	simm.s32 $0xD030;
	[tilespmem:s20+$0x0] =	vst v5;
	s20 =	simm.s32 $0xA030  }
.LBB2_5:
0x93: {  	s11 =	sadd.s32 $0x2, s11;
	[tilespmem:s30+$0x0] =	vst v2;
	s29 =	sadd.s32 $0x20, s29;
	s28 =	sadd.s32 $0x20, s28  }
0x94: {  	s30 =	smov.u32 s12;
	p0 =	slt.u32 s11, $0xFE;
	[tilespmem:s0+$0x0] =	vst v1;
	s0 =	smov.u32 s13  }
0x95: {  	[tilespmem:s3+$0x0] =	vst v0;
	s3 =	smov.u32 s16  }
0x96: {  	v0 =	vld [tilespmem:s28+$0xFFFFFFF0]  }
0x97: {  	v1 =	vld [tilespmem:s29+$0xFFFFFFF0];
	_ =	sdelay $0x3  }
0x98: {  	v0 =	vmul.f32 $2.048000000e+03, v0  }
0x99: {  	v1 =	vmul.f32 $2.048000000e+03, v1  }
0x9a: {  	v2 =	vtrunc.f32 v0  }
0x9b: {  	v3 =	vtrunc.f32 v1;
	v2 =	vcvt.f32.s32 v2  }
0x9c: {  	v3 =	vcvt.f32.s32 v3  }
0x9d: {  	v4 =	vcvt.s32.f32 v2;
	vm0 =	vlt.s32 v2, $0x7FF;
	vm1 =	vlt.s32 v2, $0x7FE  }
0x9e: {  	vm2 =	vlt.s32 v3, $0x7FF;
	v5 =	vnsel vm0, $0x7FF, v2;
	v2 =	vnsel vm1, $0x7FE, v2  }
0x9f: {  	vm0 =	vlt.s32 v3, $0x7FE;
	v6 =	vnsel vm2, $0x7FF, v3;
	v5 =	vshll.u32 v5, $0xB  }
0xa0: {  	v7 =	vnsel vm0, $0x7FE, v3;
	v2 =	vshll.u32 v2, $0xB;
	v8 =	vadd.s32 v6, v5  }
0xa1: {  	v3 =	vcvt.s32.f32 v3;
	v7 =	vadd.s32 $0x1, v7;
	v2 =	vadd.s32 $0x800, v2;
	[tilespmem:s20+$0xFFFFFFF0] =	vst v8  }
0xa2: {  	v5 =	vadd.s32 v7, v5;
	v6 =	vadd.s32 v6, v2;
	v2 =	vadd.s32 v7, v2  }
0xa3: {  	v0 =	vsub.f32 v0, v4;
	v1 =	vsub.f32 v1, v3;
	[tilespmem:s8+$0xFFFFFFF0] =	vst v5  }
0xa4: {  	[tilespmem:s26+$0xFFFFFFF0] =	vst v6  }
0xa5: {  	[tilespmem:s12+$0xFFFFFFF0] =	vst v2  }
0xa6: {  	[tilespmem:s13+$0xFFFFFFF0] =	vst v1  }
0xa7: {  	[tilespmem:s16+$0xFFFFFFF0] =	vst v0  }
0xa8: {  	v0 =	vld [tilespmem:s29+$0x0]  }
0xa9: {  	v1 =	vld [tilespmem:s28+$0x0];
	_ =	sdelay $0x3  }
0xaa: {  	v0 =	vmul.f32 $2.048000000e+03, v0  }
0xab: {  	v2 =	vmul.f32 $2.048000000e+03, v1  }
0xac: {  	v1 =	vtrunc.f32 v0  }
0xad: {  	v1 =	vcvt.f32.s32 v1;
	v3 =	vtrunc.f32 v2  }
0xae: {  	v3 =	vcvt.f32.s32 v3  }
0xaf: {  	v4 =	vcvt.s32.f32 v1;
	vm0 =	vlt.s32 v1, $0x7FF;
	vm1 =	vlt.s32 v1, $0x7FE  }
0xb0: {  	v5 =	vnsel vm0, $0x7FF, v1;
	vm0 =	vlt.s32 v3, $0x7FF;
	v1 =	vnsel vm1, $0x7FE, v1  }
0xb1: {  	v6 =	vnsel vm0, $0x7FF, v3;
	v7 =	vadd.s32 $0x1, v1;
	vm0 =	vlt.s32 v3, $0x7FE  }
.Ltmp1:
0xb2: {  	v8 =	vcvt.s32.f32 v3;
	v1 =	vnsel vm0, $0x7FE, v3;
	v3 =	vshll.u32 v6, $0xB;
	(pc) =	sbr.rel @p0 .LBB2_5-.Ltmp1, $4  }
0xb3: {  	v6 =	vshll.u32 v1, $0xB;
	v9 =	vadd.s32 v5, v3;
	v3 =	vadd.s32 v7, v3  }
0xb4: {  	v1 =	vsub.f32 v0, v4;
	v0 =	vsub.f32 v2, v8;
	v2 =	vadd.s32 $0x800, v6;
	[tilespmem:s20+$0x0] =	vst v9  }
0xb5: {  	s12 =	sadd.s32 $0x20, s12;
	s13 =	sadd.s32 $0x20, s13;
	s16 =	sadd.s32 $0x20, s16;
	[tilespmem:s8+$0x0] =	vst v3;
	v3 =	vadd.s32 v5, v2;
	v2 =	vadd.s32 v7, v2  }
0xb6: {  	s20 =	sadd.s32 $0x20, s20;
	s8 =	sadd.s32 $0x20, s8;
	[tilespmem:s26+$0x0] =	vst v3;
	s26 =	sadd.s32 $0x20, s26  }
0xb7: {  	[tilespmem:s30+$0x0] =	vst v2  }
0xb8: {  	[tilespmem:s0+$0x0] =	vst v1  }
0xb9: {  	s26 =	simm.s32 $0xA000;
	s8 =	simm.s32 $0x12000;
	[tilespmem:s3+$0x0] =	vst v0  }
0xba: {  	[tilespmem:s8], [sflag:$0x2] =	stream.indirect.gather [hbm4b:s6+s15], $0x1, s26, s15, $0xb8;
	[tilespmem:$0x1D000] =	vst v63  }
0xbb: {  	s11 =	simm.s32 $0xB000;
	s8 =	simm.s32 $0x13000  }
0xbc: {  	[tilespmem:s8], [sflag:$0x2] =	stream.indirect.gather [hbm4b:s6+s15], $0x1, s11, s15, $0xb8;
	[tilespmem:$0x1D000] =	vst v63  }
0xbd: {  	s12 =	simm.s32 $0x14000  }
0xbe: {  	[tilespmem:s12], [sflag:$0x2] =	stream.indirect.gather [hbm4b:s6+s15], $0x1, s31, s15, $0xb8;
	[tilespmem:$0x1D000] =	vst v63  }
0xbf: {  	s13 =	simm.s32 $0xD000;
	s16 =	simm.s32 $0x15000  }
0xc0: {  	[tilespmem:s16], [sflag:$0x2] =	stream.indirect.gather [hbm4b:s6+s15], $0x1, s13, s15, $0xb8;
	[tilespmem:$0x1D000] =	vst v63  }
0xc1: {  	s20 =	simm.s32 $0x18000  }
0xc2: {  	[tilespmem:s20], [sflag:$0x2] =	stream.indirect.gather [hbm4b:s1+s15], $0x1, s26, s15, $0xb8;
	[tilespmem:$0x1D000] =	vst v63  }
0xc3: {  	s26 =	simm.s32 $0x19000  }
0xc4: {  	[tilespmem:s26], [sflag:$0x2] =	stream.indirect.gather [hbm4b:s1+s15], $0x1, s31, s15, $0xb8;
	[tilespmem:$0x1D000] =	vst v63  }
0xc5: {  	_ =	swait.ge [sflag:s17], $0x1000  }
0xc6: {  	[sflag:s17] =	ssyncset.done $0x0  }
0xc7: {  	[sflag:s17] =	ssyncadd.s32 $0xFFFFF000  }
0xc8: {  	_ =	swait.ge [sflag:s17], $0x1000  }
0xc9: {  	[sflag:s17] =	ssyncset.done $0x0  }
0xca: {  	[sflag:s17] =	ssyncadd.s32 $0xFFFFF000  }
0xcb: {  	_ =	swait.ge [sflag:s17], $0x1000  }
0xcc: {  	[sflag:s17] =	ssyncset.done $0x0  }
0xcd: {  	[sflag:s17] =	ssyncadd.s32 $0xFFFFF000  }
0xce: {  	_ =	swait.ge [sflag:s17], $0x1000  }
0xcf: {  	[sflag:s17] =	ssyncset.done $0x0  }
0xd0: {  	[sflag:s17] =	ssyncadd.s32 $0xFFFFF000  }
0xd1: {  	_ =	swait.ge [sflag:s17], $0x1000  }
0xd2: {  	[sflag:s17] =	ssyncset.done $0x0  }
0xd3: {  	[sflag:s17] =	ssyncadd.s32 $0xFFFFF000  }
0xd4: {  	_ =	swait.ge [sflag:s17], $0x1000  }
0xd5: {  	[sflag:s17] =	ssyncset.done $0x0  }
0xd6: {  	s28 =	simm.s32 $0x0;
	[sflag:s17] =	ssyncadd.s32 $0xFFFFF000  }
0xd7: {  	v0 =	vld [tilespmem:s28+$0x17000]  }
0xd8: {  	v1 =	vld [tilespmem:s28+$0x17010]  }
0xd9: {  	v3 =	vld [tilespmem:s28+$0x11010]  }
0xda: {  	v2 =	vld [tilespmem:s28+$0x10010]  }
0xdb: {  	v4 =	vld [tilespmem:s28+$0x16010]  }
0xdc: {  	v6 =	vld [tilespmem:s28+$0x16000]  }
0xdd: {  	v8 =	vld [tilespmem:s28+$0xF000]  }
0xde: {  	v11 =	vld [tilespmem:s28+$0xE000]  }
0xdf: {  	v14 =	vld [tilespmem:s28+$0x10000];
	v5 =	vshll.u32 v0, $0x10  }
0xe0: {  	s29 =	simm.s32 $0x20;
	v18 =	vld [tilespmem:s28+$0xF010];
	v0 =	vshra.s32 v0, $0x3;
	v7 =	vshra.s32 v1, $0x3;
	v9 =	vshll.u32 v3, $0x10  }
0xe1: {  	v29 =	vld [tilespmem:s29+$0xE000];
	v10 =	vshll.u32 v2, $0x10;
	v12 =	vshra.s32 v2, $0x3;
	v13 =	vshll.u32 v4, $0x10  }
0xe2: {  	v1 =	vshll.u32 v1, $0x10;
	v4 =	vshra.s32 v4, $0x3;
	v16 =	vshra.s32 v6, $0x3  }
0xe3: {  	v3 =	vshra.s32 v3, $0x3;
	v17 =	vshra.s32 v11, $0x3;
	v19 =	vshra.s32 v8, $0x3  }
0xe4: {  	v20 =	vshll.u32 v14, $0x10;
	v21 =	vshll.u32 v6, $0x10;
	v11 =	vshll.u32 v11, $0x10  }
0xe5: {  	v14 =	vshra.s32 v14, $0x3;
	v8 =	vshll.u32 v8, $0x10;
	v22 =	vshll.u32 v18, $0x10  }
0xe6: {  	v33 =	vshra.s32 v29, $0x3;
	v5 =	vshra.s32 v5, $0x3;
	v0 =	vand.u32 $0x8FFFE000, v0  }
0xe7: {  	v9 =	vshra.s32 v9, $0x3;
	v1 =	vshra.s32 v1, $0x3;
	v13 =	vshra.s32 v13, $0x3  }
0xe8: {  	v7 =	vand.u32 $0x8FFFE000, v7;
	v4 =	vand.u32 $0x8FFFE000, v4;
	v10 =	vshra.s32 v10, $0x3  }
0xe9: {  	v3 =	vand.u32 $0x8FFFE000, v3;
	v12 =	vand.u32 $0x8FFFE000, v12;
	v19 =	vand.u32 $0x8FFFE000, v19  }
0xea: {  	v2 =	vld [tilespmem:s28+$0x2010];
	v14 =	vand.u32 $0x8FFFE000, v14;
	v11 =	vshra.s32 v11, $0x3;
	v17 =	vand.u32 $0x8FFFE000, v17  }
0xeb: {  	v6 =	vld [tilespmem:s28+$0xE010];
	v8 =	vshra.s32 v8, $0x3;
	v16 =	vand.u32 $0x8FFFE000, v16;
	v5 =	vand.u32 $0x8FFFE000, v5  }
0xec: {  	v15 =	vld [tilespmem:s28+$0x11000];
	v1 =	vand.u32 $0x8FFFE000, v1;
	v13 =	vand.u32 $0x8FFFE000, v13;
	v9 =	vand.u32 $0x8FFFE000, v9  }
0xed: {  	v10 =	vand.u32 $0x8FFFE000, v10;
	v3 =	vsub.f32 v3, v12;
	v4 =	vsub.f32 v4, v13  }
0xee: {  	v19 =	vsub.f32 v19, v17;
	v11 =	vand.u32 $0x8FFFE000, v11;
	v8 =	vand.u32 $0x8FFFE000, v8  }
0xef: {  	v9 =	vsub.f32 v9, v10;
	v7 =	vsub.f32 v7, v1;
	v4 =	vmul.f32 v4, v2  }
0xf0: {  	v0 =	vsub.f32 v0, v5;
	v3 =	vmul.f32 v3, v2;
	v23 =	vshll.u32 v6, $0x10  }
0xf1: {  	v7 =	vmul.f32 v7, v2;
	v13 =	vadd.f32 v13, v4;
	v4 =	vshll.u32 v15, $0x10  }
0xf2: {  	v15 =	vshra.s32 v15, $0x3;
	v3 =	vadd.f32 v12, v3;
	v12 =	vshra.s32 v22, $0x3  }
0xf3: {  	v22 =	vshra.s32 v6, $0x3;
	v6 =	vmul.f32 v9, v2;
	v9 =	vshra.s32 v18, $0x3  }
0xf4: {  	v18 =	vshra.s32 v20, $0x3;
	v1 =	vadd.f32 v1, v7;
	v4 =	vshra.s32 v4, $0x3  }
0xf5: {  	v15 =	vand.u32 $0x8FFFE000, v15;
	v12 =	vand.u32 $0x8FFFE000, v12;
	v22 =	vand.u32 $0x8FFFE000, v22  }
0xf6: {  	v20 =	vld [tilespmem:s28+$0x2000];
	v9 =	vand.u32 $0x8FFFE000, v9;
	v18 =	vand.u32 $0x8FFFE000, v18;
	v6 =	vadd.f32 v10, v6  }
0xf7: {  	v7 =	vld [tilespmem:s29+$0x10010];
	v10 =	vshra.s32 v21, $0x3;
	v21 =	vshra.s32 v23, $0x3;
	v23 =	vsub.f32 v8, v11  }
0xf8: {  	v4 =	vand.u32 $0x8FFFE000, v4;
	v9 =	vsub.f32 v9, v22;
	v15 =	vsub.f32 v15, v14  }
0xf9: {  	v24 =	vld [tilespmem:s29+$0x17000];
	v1 =	vsub.f32 v1, v13;
	v10 =	vand.u32 $0x8FFFE000, v10;
	v4 =	vsub.f32 v4, v18  }
0xfa: {  	v21 =	vand.u32 $0x8FFFE000, v21;
	v16 =	vsub.f32 v16, v10;
	v9 =	vmul.f32 v9, v2  }
0xfb: {  	v26 =	vsub.f32 v12, v21;
	v0 =	vmul.f32 v0, v20;
	v4 =	vmul.f32 v4, v20  }
0xfc: {  	v8 =	vld [tilespmem:s28+$0x4010];
	v19 =	vmul.f32 v19, v20;
	v15 =	vmul.f32 v15, v20;
	v25 =	vshll.u32 v7, $0x10  }
0xfd: {  	v7 =	vshra.s32 v7, $0x3;
	v16 =	vmul.f32 v16, v20;
	v22 =	vadd.f32 v22, v9  }
0xfe: {  	v20 =	vmul.f32 v23, v20;
	v23 =	vshra.s32 v24, $0x3;
	v25 =	vshra.s32 v25, $0x3  }
0xff: {  	v12 =	vld [tilespmem:s29+$0x16000];
	v7 =	vand.u32 $0x8FFFE000, v7;
	v2 =	vmul.f32 v26, v2;
	v0 =	vadd.f32 v5, v0  }
0x100: {  	v9 =	vld [tilespmem:s29+$0x16010];
	v18 =	vadd.f32 v18, v4;
	v4 =	vshll.u32 v24, $0x10;
	v14 =	vadd.f32 v14, v15  }
0x101: {  	v5 =	vld [tilespmem:s29+$0x17010];
	v17 =	vadd.f32 v17, v19;
	v19 =	vand.u32 $0x8FFFE000, v23;
	v1 =	vmul.f32 v1, v8  }
0x102: {  	v24 =	vld [tilespmem:s28+$0x4000];
	v25 =	vand.u32 $0x8FFFE000, v25;
	v10 =	vadd.f32 v10, v16;
	v20 =	vadd.f32 v11, v20  }
0x103: {  	v16 =	vld [tilespmem:s29+$0x11010];
	v4 =	vshra.s32 v4, $0x3;
	v3 =	vsub.f32 v3, v22;
	v1 =	vadd.f32 v1, v13  }
0x104: {  	v14 =	vsub.f32 v14, v17;
	v32 =	vshra.s32 v12, $0x3;
	v0 =	vsub.f32 v0, v10  }
0x105: {  	v27 =	vshll.u32 v9, $0x10;
	v9 =	vshra.s32 v9, $0x3;
	v35 =	vmul.f32 $5.192296860e+33, v1  }
0x106: {  	v15 =	vshra.s32 v5, $0x3;
	v28 =	vshll.u32 v5, $0x10;
	v5 =	vand.u32 $0x8FFFE000, v4  }
0x107: {  	v36 =	vld [tilespmem:s29+$0xF010];
	v27 =	vshra.s32 v27, $0x3;
	v30 =	vmul.f32 v0, v24;
	v9 =	vand.u32 $0x8FFFE000, v9  }
0x108: {  	v0 =	vld [tilespmem:s29+$0x2010];
	v14 =	vmul.f32 v14, v24;
	v23 =	vshll.u32 v16, $0x10;
	v4 =	vshra.s32 v28, $0x3  }
0x109: {  	v28 =	vld [tilespmem:s29+$0xF000];
	v27 =	vand.u32 $0x8FFFE000, v27;
	v31 =	vand.u32 $0x8FFFE000, v15;
	v13 =	vshra.s32 v16, $0x3  }
0x10a: {  	v15 =	vld [tilespmem:s29+$0x10000];
	v23 =	vshra.s32 v23, $0x3;
	v4 =	vand.u32 $0x8FFFE000, v4;
	v9 =	vsub.f32 v9, v27  }
0x10b: {  	v16 =	vld [tilespmem:s29+$0x11000];
	v13 =	vand.u32 $0x8FFFE000, v13;
	v10 =	vadd.f32 v30, v10;
	v17 =	vadd.f32 v14, v17  }
0x10c: {  	v14 =	vsub.f32 v18, v20;
	v18 =	vshll.u32 v29, $0x10;
	v13 =	vsub.f32 v13, v7  }
0x10d: {  	v23 =	vand.u32 $0x8FFFE000, v23;
	v31 =	vsub.f32 v31, v4;
	v29 =	vmul.f32 $5.192296860e+33, v10  }
0x10e: {  	v10 =	vshll.u32 v36, $0x10;
	v9 =	vmul.f32 v9, v0;
	v13 =	vmul.f32 v13, v0  }
0x10f: {  	v30 =	vshra.s32 v28, $0x3;
	v34 =	vshll.u32 v15, $0x10;
	v28 =	vshll.u32 v28, $0x10  }
0x110: {  	v26 =	vld [tilespmem:s29+$0xE010];
	v1 =	vadd.f32 v27, v9;
	v11 =	vand.u32 $0x8FFFE000, v30;
	v9 =	vshll.u32 v16, $0x10  }
0x111: {  	v27 =	vshll.u32 v12, $0x10;
	v16 =	vshra.s32 v16, $0x3;
	v9 =	vshra.s32 v9, $0x3  }
0x112: {  	v12 =	vand.u32 $0x8FFFE000, v9;
	v9 =	vshra.s32 v15, $0x3;
	v15 =	vadd.f32 v21, v2  }
0x113: {  	v2 =	vadd.f32 v7, v13;
	v7 =	vshra.s32 v18, $0x3;
	v13 =	vshra.s32 v10, $0x3  }
0x114: {  	v10 =	vand.u32 $0x8FFFE000, v33;
	v21 =	vsub.f32 v23, v25;
	v23 =	vmul.f32 v14, v24  }
0x115: {  	v18 =	vand.u32 $0x8FFFE000, v16;
	v14 =	vshra.s32 v26, $0x3;
	v24 =	vshll.u32 v26, $0x10  }
0x116: {  	v26 =	vmul.f32 $5.192296860e+33, v17;
	v17 =	vshra.s32 v28, $0x3;
	v28 =	vshra.s32 v36, $0x3  }
0x117: {  	[tilespmem:s28+$0x1C010] =	vst v35;
	v9 =	vand.u32 $0x8FFFE000, v9;
	v16 =	vsub.f32 v11, v10;
	v11 =	vand.u32 $0x8FFFE000, v13  }
0x118: {  	[tilespmem:s28+$0x1C000] =	vst v29;
	v13 =	vmul.f32 v3, v8;
	v14 =	vand.u32 $0x8FFFE000, v14;
	v7 =	vand.u32 $0x8FFFE000, v7  }
0x119: {  	v30 =	vand.u32 $0x8FFFE000, v17;
	v17 =	vshra.s32 v24, $0x3;
	v24 =	vand.u32 $0x8FFFE000, v32;
	[tilespmem:s28+$0x1B000] =	vst v26  }
0x11a: {  	v3 =	vmul.f32 v21, v0;
	v21 =	vadd.f32 v23, v20;
	v26 =	vsub.f32 v19, v5;
	v19 =	vld [tilespmem:s29+$0x2000]  }
0x11b: {  	v20 =	vshra.s32 v34, $0x3;
	v29 =	vsub.f32 v6, v15;
	v23 =	vadd.f32 v13, v22  }
0x11c: {  	v13 =	vshra.s32 v27, $0x3;
	v20 =	vand.u32 $0x8FFFE000, v20;
	v22 =	vsub.f32 v30, v7  }
0x11d: {  	v3 =	vadd.f32 v25, v3;
	v13 =	vand.u32 $0x8FFFE000, v13;
	v25 =	vand.u32 $0x8FFFE000, v28  }
0x11e: {  	s30 =	simm.s32 $0x2;
	s0 =	simm.s32 $0x100;
	v6 =	vld [tilespmem:s29+$0x4000];
	v28 =	vmul.f32 v29, v8;
	v27 =	vsub.f32 v24, v13;
	v24 =	vmul.f32 v31, v0  }
.LBB2_7:
0x11f: {  	s3 =	sshra.s32 s0, $0x2;
	s30 =	sadd.s32 $0x2, s30;
	v26 =	vmul.f32 v26, v19;
	v8 =	vld [tilespmem:s29+$0x4010];
	v25 =	vsub.f32 v25, v14;
	v23 =	vmul.f32 $5.192296860e+33, v23  }
0x120: {  	v12 =	vsub.f32 v12, v20;
	v29 =	vld [tilespmem:s3+$0x16010];
	p0 =	slt.u32 s30, $0xFE;
	v27 =	vmul.f32 v27, v19;
	v15 =	vadd.f32 v28, v15  }
0x121: {  	v18 =	vsub.f32 v18, v9;
	v21 =	vmul.f32 $5.192296860e+33, v21;
	v28 =	vld [tilespmem:s3+$0x17000];
	v5 =	vadd.f32 v5, v26;
	[tilespmem:s28+$0x1B010] =	vst v23  }
0x122: {  	v23 =	vld [tilespmem:s3+$0x17010];
	v26 =	vadd.f32 v13, v27;
	v13 =	vmul.f32 v25, v0;
	v15 =	vmul.f32 $5.192296860e+33, v15  }
0x123: {  	v16 =	vmul.f32 v16, v19;
	v4 =	vadd.f32 v4, v24;
	v12 =	vmul.f32 v12, v19;
	v25 =	vld [tilespmem:s3+$0x11010];
	[tilespmem:s28+$0x1A000] =	vst v21  }
0x124: {  	v18 =	vmul.f32 v18, v19;
	v21 =	vld [tilespmem:s3+$0x10010];
	v24 =	vsub.f32 v5, v26;
	v13 =	vadd.f32 v14, v13;
	[tilespmem:s28+$0x1A010] =	vst v15;
	s28 =	smov.u32 s29;
	s29 =	smov.u32 s3  }
0x125: {  	v4 =	vsub.f32 v4, v1;
	v12 =	vadd.f32 v20, v12;
	v15 =	vmul.f32 v22, v19;
	v14 =	vld [tilespmem:s29+$0x16000]  }
0x126: {  	v9 =	vadd.f32 v9, v18;
	v19 =	vld [tilespmem:s29+$0x11000];
	v5 =	vshll.u32 v28, $0x10;
	v20 =	vshra.s32 v28, $0x3  }
0x127: {  	v10 =	vadd.f32 v10, v16;
	v18 =	vld [tilespmem:s29+$0x10000];
	v5 =	vshra.s32 v5, $0x3;
	v22 =	vshra.s32 v23, $0x3  }
0x128: {  	v17 =	vand.u32 $0x8FFFE000, v17;
	v20 =	vand.u32 $0x8FFFE000, v20;
	v16 =	vld [tilespmem:s29+$0xF000];
	v27 =	vshll.u32 v25, $0x10  }
0x129: {  	v11 =	vsub.f32 v11, v17;
	v28 =	vld [tilespmem:s29+$0xE000];
	v30 =	vshll.u32 v21, $0x10;
	v21 =	vshra.s32 v21, $0x3  }
0x12a: {  	v33 =	vmul.f32 v4, v8;
	v32 =	vshll.u32 v29, $0x10;
	v23 =	vshll.u32 v23, $0x10;
	v31 =	vld [tilespmem:s29+$0xF010]  }
0x12b: {  	v5 =	vand.u32 $0x8FFFE000, v5;
	v4 =	vshra.s32 v23, $0x3;
	v27 =	vshra.s32 v27, $0x3;
	v34 =	vld [tilespmem:s29+$0xE010]  }
0x12c: {  	v24 =	vmul.f32 v24, v6;
	v23 =	vshra.s32 v32, $0x3;
	v4 =	vand.u32 $0x8FFFE000, v4  }
0x12d: {  	v9 =	vsub.f32 v9, v10;
	v22 =	vand.u32 $0x8FFFE000, v22;
	v23 =	vand.u32 $0x8FFFE000, v23;
	v32 =	vld [tilespmem:s29+$0x2010]  }
0x12e: {  	v29 =	vshra.s32 v29, $0x3;
	v1 =	vadd.f32 v33, v1;
	v30 =	vshra.s32 v30, $0x3  }
0x12f: {  	v29 =	vand.u32 $0x8FFFE000, v29;
	v25 =	vshra.s32 v25, $0x3;
	v33 =	vshra.s32 v14, $0x3  }
0x130: {  	v9 =	vmul.f32 v9, v6;
	v29 =	vsub.f32 v29, v23;
	v35 =	vshra.s32 v28, $0x3  }
0x131: {  	v24 =	vadd.f32 v24, v26;
	v25 =	vand.u32 $0x8FFFE000, v25;
	v27 =	vand.u32 $0x8FFFE000, v27  }
0x132: {  	v36 =	vadd.f32 v9, v10;
	v26 =	vshra.s32 v16, $0x3;
	v29 =	vmul.f32 v29, v32  }
0x133: {  	v9 =	vmul.f32 $5.192296860e+33, v1;
	v30 =	vand.u32 $0x8FFFE000, v30;
	v37 =	vshll.u32 v18, $0x10  }
0x134: {  	v7 =	vadd.f32 v7, v15;
	v10 =	vand.u32 $0x8FFFE000, v21;
	v1 =	vadd.f32 v23, v29  }
0x135: {  	v15 =	vshll.u32 v19, $0x10;
	v21 =	vand.u32 $0x8FFFE000, v26;
	v26 =	vshll.u32 v14, $0x10;
	[tilespmem:s28+$0x1C010] =	vst v9  }
0x136: {  	v14 =	vsub.f32 v25, v10;
	v23 =	vsub.f32 v12, v7;
	v9 =	vshra.s32 v15, $0x3  }
0x137: {  	v25 =	vshll.u32 v28, $0x10;
	v12 =	vand.u32 $0x8FFFE000, v9;
	v9 =	vmul.f32 v11, v0;
	v0 =	vmovc v32  }
0x138: {  	v11 =	vshra.s32 v18, $0x3;
	v18 =	vmul.f32 $5.192296860e+33, v24;
	v14 =	vmul.f32 v14, v0  }
0x139: {  	v24 =	vshll.u32 v16, $0x10;
	v16 =	vshll.u32 v31, $0x10;
	v15 =	vadd.f32 v17, v9  }
0x13a: {  	v9 =	vand.u32 $0x8FFFE000, v11;
	v11 =	vshra.s32 v19, $0x3;
	v14 =	vadd.f32 v10, v14;
	[tilespmem:s28+$0x1C000] =	vst v18  }
0x13b: {  	v17 =	vshra.s32 v25, $0x3;
	v19 =	vshra.s32 v16, $0x3;
	v25 =	vsub.f32 v2, v13  }
0x13c: {  	v27 =	vsub.f32 v27, v30;
	v6 =	vmul.f32 v23, v6;
	v10 =	vand.u32 $0x8FFFE000, v35;
	v2 =	vmovc v14  }
0x13d: {  	v18 =	vand.u32 $0x8FFFE000, v11;
	v16 =	vsub.f32 v21, v10;
	v14 =	vshra.s32 v34, $0x3  }
0x13e: {  	v28 =	vshll.u32 v34, $0x10;
	v11 =	vand.u32 $0x8FFFE000, v19;
	v23 =	vmul.f32 v25, v8  }
0x13f: {  	v19 =	vmul.f32 v27, v0;
	v25 =	vmul.f32 $5.192296860e+33, v36;
	v14 =	vand.u32 $0x8FFFE000, v14  }
0x140: {  	v24 =	vshra.s32 v24, $0x3;
	v27 =	vshra.s32 v31, $0x3;
	v21 =	vadd.f32 v6, v7  }
0x141: {  	v7 =	vand.u32 $0x8FFFE000, v17;
	v6 =	vshra.s32 v37, $0x3;
	v29 =	vadd.f32 v30, v19;
	[tilespmem:s28+$0x1B000] =	vst v25  }
.Ltmp2:
0x142: {  	v24 =	vand.u32 $0x8FFFE000, v24;
	v30 =	vsub.f32 v22, v4;
	v23 =	vadd.f32 v23, v13;
	v19 =	vld [tilespmem:s29+$0x2000];
	(pc) =	sbr.rel @p0 .LBB2_7-.Ltmp2, $4  }
0x143: {  	v17 =	vshra.s32 v28, $0x3;
	v28 =	vsub.f32 v3, v15;
	v13 =	vshra.s32 v26, $0x3;
	v3 =	vmovc v29  }
0x144: {  	v26 =	vsub.f32 v20, v5;
	v13 =	vand.u32 $0x8FFFE000, v13;
	v25 =	vand.u32 $0x8FFFE000, v27  }
0x145: {  	v20 =	vand.u32 $0x8FFFE000, v6;
	v22 =	vsub.f32 v24, v7;
	v27 =	vand.u32 $0x8FFFE000, v33  }
0x146: {  	s0 =	sadd.s32 $0x80, s0;
	v28 =	vmul.f32 v28, v8;
	v24 =	vmul.f32 v30, v0;
	v27 =	vsub.f32 v27, v13;
	v6 =	vld [tilespmem:s29+$0x4000]  }
0x147: {  	v8 =	vmul.f32 v26, v19;
	v25 =	vsub.f32 v25, v14  }
0x148: {  	v12 =	vsub.f32 v12, v20;
	v23 =	vmul.f32 $5.192296860e+33, v23;
	v18 =	vsub.f32 v18, v9  }
0x149: {  	v50 =	vmul.f32 $5.192296860e+33, v21;
	v16 =	vmul.f32 v16, v19;
	v17 =	vand.u32 $0x8FFFE000, v17  }
0x14a: {  	v53 =	vmul.f32 v22, v19;
	v15 =	vadd.f32 v28, v15;
	v4 =	vadd.f32 v4, v24  }
0x14b: {  	v52 =	vld [tilespmem:s29+$0x4010];
	v49 =	vmul.f32 v27, v19;
	v11 =	vsub.f32 v11, v17;
	v5 =	vadd.f32 v5, v8  }
0x14c: {  	v51 =	vmul.f32 v25, v0;
	v18 =	vmul.f32 v18, v19;
	v10 =	vadd.f32 v10, v16  }
0x14d: {  	v12 =	vmul.f32 v12, v19;
	v7 =	vadd.f32 v7, v53;
	v13 =	vadd.f32 v13, v49  }
0x14e: {  	v15 =	vmul.f32 $5.192296860e+33, v15;
	v4 =	vsub.f32 v4, v1;
	v54 =	vadd.f32 v9, v18  }
0x14f: {  	v56 =	vmul.f32 v11, v0;
	v55 =	vadd.f32 v14, v51;
	v5 =	vsub.f32 v5, v13  }
0x150: {  	v12 =	vadd.f32 v20, v12;
	v4 =	vmul.f32 v4, v52;
	v9 =	vsub.f32 v54, v10  }
0x151: {  	v0 =	vadd.f32 v17, v56;
	v2 =	vsub.f32 v2, v55;
	v5 =	vmul.f32 v5, v6  }
0x152: {  	v59 =	vsub.f32 v12, v7;
	v57 =	vadd.f32 v4, v1;
	v58 =	vmul.f32 v9, v6  }
0x153: {  	[tilespmem:s28+$0x1B010] =	vst v23;
	v3 =	vsub.f32 v3, v0;
	v2 =	vmul.f32 v2, v52;
	v5 =	vadd.f32 v5, v13  }
0x154: {  	[tilespmem:s28+$0x1A000] =	vst v50;
	v60 =	vmul.f32 v59, v6;
	v1 =	vmul.f32 $5.192296860e+33, v57;
	v4 =	vadd.f32 v58, v10  }
0x155: {  	[tilespmem:s28+$0x1A010] =	vst v15;
	v3 =	vmul.f32 v3, v52;
	v2 =	vadd.f32 v2, v55;
	v5 =	vmul.f32 $5.192296860e+33, v5  }
0x156: {  	v62 =	vadd.f32 v60, v7;
	[tilespmem:s29+$0x1C010] =	vst v1;
	v61 =	vmul.f32 $5.192296860e+33, v4  }
0x157: {  	v0 =	vadd.f32 v3, v0;
	v2 =	vmul.f32 $5.192296860e+33, v2;
	[tilespmem:s29+$0x1C000] =	vst v5  }
0x158: {  	v63 =	vmul.f32 $5.192296860e+33, v62;
	[tilespmem:s29+$0x1B000] =	vst v61  }
0x159: {  	v0 =	vmul.f32 $5.192296860e+33, v0;
	[tilespmem:s29+$0x1B010] =	vst v2  }
0x15a: {  	[tilespmem:s29+$0x1A000] =	vst v63  }
0x15b: {  	s0 =	sadd.s32 s7, s25;
	[tilespmem:s29+$0x1A010] =	vst v0  }
0x15c: {  	[hbm4b:s0+s2] =	stream.linear.scatter [tilespmem:s18], [sflag:$0x3], $0x1000, $0x38;
	[tilespmem:$0x1D000] =	vst v63  }
0x15d: {  	_ =	swait.ge [sflag:s14], $0x1000  }
0x15e: {  	[sflag:s14] =	ssyncset.done $0x0  }
0x15f: {  	s29 =	sadd.s32 s9, s25;
	[sflag:s14] =	ssyncadd.s32 $0xFFFFF000  }
0x160: {  	[hbm4b:s29+s2] =	stream.linear.scatter [tilespmem:s19], [sflag:$0x3], $0x1000, $0x38;
	[tilespmem:$0x1D000] =	vst v63  }
0x161: {  	_ =	swait.ge [sflag:s14], $0x1000  }
0x162: {  	p0 =	seq.s32 s23, $0x3;
	[sflag:s14] =	ssyncset.done $0x0  }
.Ltmp3:
0x163: {  	s30 =	sadd.s32 s10, s25;
	[sflag:s14] =	ssyncadd.s32 $0xFFFFF000;
	(pc) =	sbr.rel @p0 .LBB2_12-.Ltmp3, $4  }
0x164: {  	[hbm4b:s30+s2] =	stream.linear.scatter [tilespmem:s21], [sflag:$0x3], $0x1000, $0x38;
	[tilespmem:$0x1D000] =	vst v63  }
0x165: {  	_ =	swait.ge [sflag:s14], $0x1000  }
0x166: {  	[sflag:s14] =	ssyncset.done $0x0  }
0x167: {  	[sflag:s14] =	ssyncadd.s32 $0xFFFFF000  }
0x168: {  	s0 =	sadd.s32 $0x400, s25  }
0x169: {  	s3 =	sadd.s32 s4, s0  }
0x16a: {  	[tilespmem:s2], [sflag:$0x3] =	stream.linear.gather [hbm4b:s3+s2], $0x1000, $0x38;
	[tilespmem:$0x1D000] =	vst v63  }
0x16b: {  	_ =	swait.ge [sflag:s14], $0x1000  }
0x16c: {  	[sflag:s14] =	ssyncset.done $0x0  }
0x16d: {  	s0 =	sadd.s32 s5, s0;
	[sflag:s14] =	ssyncadd.s32 $0xFFFFF000  }
0x16e: {  	[tilespmem:s15], [sflag:$0x3] =	stream.linear.gather [hbm4b:s0+s2], $0x1000, $0x38;
	[tilespmem:$0x1D000] =	vst v63  }
0x16f: {  	_ =	swait.ge [sflag:s14], $0x1000  }
0x170: {  	[sflag:s14] =	ssyncset.done $0x0  }
0x171: {  	s25 =	simm.s32 $0x1010;
	[sflag:s14] =	ssyncadd.s32 $0xFFFFF000  }
0x172: {  	s28 =	simm.s32 $0x10;
	v0 =	vld [tilespmem:s25+$0xFFFFFFF0]  }
0x173: {  	v1 =	vld [tilespmem:s28+$0xFFFFFFF0];
	_ =	sdelay $0x4  }
0x174: {  	v0 =	vmul.f32 $2.048000000e+03, v0;
	v1 =	vmul.f32 $2.048000000e+03, v1;
	_ =	sdelay $0x1  }
0x175: {  	v2 =	vtrunc.f32 v0;
	v3 =	vtrunc.f32 v1  }
0x176: {  	v2 =	vcvt.f32.s32 v2;
	v3 =	vcvt.f32.s32 v3;
	_ =	sdelay $0x1  }
0x177: {  	vm0 =	vlt.s32 v2, $0x7FF;
	vm1 =	vlt.s32 v2, $0x7FE;
	vm2 =	vlt.s32 v3, $0x7FF  }
0x178: {  	vm11 =	vlt.s32 v3, $0x7FE;
	v4 =	vnsel vm0, $0x7FF, v2;
	v5 =	vnsel vm1, $0x7FE, v2  }
0x179: {  	v6 =	vnsel vm2, $0x7FF, v3;
	v7 =	vnsel vm11, $0x7FE, v3;
	v4 =	vshll.u32 v4, $0xB  }
0x17a: {  	s8 =	simm.s32 $0x6010;
	v5 =	vshll.u32 v5, $0xB;
	v7 =	vadd.s32 $0x1, v7;
	v8 =	vadd.s32 v6, v4  }
0x17b: {  	s12 =	simm.s32 $0x7010;
	v3 =	vcvt.s32.f32 v3;
	v5 =	vadd.s32 $0x800, v5;
	v4 =	vadd.s32 v7, v4;
	[tilespmem:s8+$0xFFFFFFF0] =	vst v8  }
0x17c: {  	s20 =	simm.s32 $0x8010;
	v2 =	vcvt.s32.f32 v2;
	v6 =	vadd.s32 v6, v5;
	[tilespmem:s12+$0xFFFFFFF0] =	vst v4  }
0x17d: {  	s3 =	simm.s32 $0x9010;
	v1 =	vsub.f32 v1, v3;
	v57 =	vadd.s32 v7, v5;
	[tilespmem:s20+$0xFFFFFFF0] =	vst v6  }
0x17e: {  	s0 =	simm.s32 $0x2010;
	v0 =	vsub.f32 v0, v2;
	[tilespmem:s3+$0xFFFFFFF0] =	vst v57  }
0x17f: {  	s29 =	simm.s32 $0x4010;
	[tilespmem:s0+$0xFFFFFFF0] =	vst v1  }
0x180: {  	[tilespmem:s29+$0xFFFFFFF0] =	vst v0  }
0x181: {  	v0 =	vld [tilespmem:s28+$0x0]  }
0x182: {  	v1 =	vld [tilespmem:s25+$0x0];
	_ =	sdelay $0x3  }
0x183: {  	v0 =	vmul.f32 $2.048000000e+03, v0  }
0x184: {  	v2 =	vmul.f32 $2.048000000e+03, v1  }
0x185: {  	v1 =	vtrunc.f32 v0  }
0x186: {  	v3 =	vtrunc.f32 v2;
	v1 =	vcvt.f32.s32 v1  }
0x187: {  	v3 =	vcvt.f32.s32 v3  }
0x188: {  	v58 =	vcvt.s32.f32 v1  }
0x189: {  	vm12 =	vlt.s32 v1, $0x7FF;
	vm13 =	vlt.s32 v1, $0x7FE;
	vm14 =	vlt.s32 v3, $0x7FF  }
0x18a: {  	vm15 =	vlt.s32 v3, $0x7FE;
	v59 =	vnsel vm12, $0x7FF, v1;
	v60 =	vnsel vm14, $0x7FF, v3  }
0x18b: {  	v1 =	vnsel vm13, $0x7FE, v1;
	v61 =	vnsel vm15, $0x7FE, v3;
	v6 =	vshll.u32 v60, $0xB  }
0x18c: {  	v62 =	vadd.s32 $0x1, v1;
	v1 =	vshll.u32 v61, $0xB;
	v63 =	vadd.s32 v59, v6  }
0x18d: {  	s11 =	simm.s32 $0x0;
	v3 =	vcvt.s32.f32 v3;
	v6 =	vadd.s32 v62, v6;
	v9 =	vadd.s32 $0x800, v1;
	[tilespmem:s8+$0x0] =	vst v63  }
0x18e: {  	s13 =	simm.s32 $0x2030;
	s16 =	simm.s32 $0x4030;
	s26 =	simm.s32 $0x8030;
	v5 =	vadd.s32 v59, v9;
	[tilespmem:s12+$0x0] =	vst v6  }
0x18f: {  	v1 =	vsub.f32 v0, v58;
	v0 =	vsub.f32 v2, v3;
	v2 =	vadd.s32 v62, v9;
	s8 =	simm.s32 $0x7030;
	s12 =	simm.s32 $0x9030;
	[tilespmem:s20+$0x0] =	vst v5;
	s20 =	simm.s32 $0x6030  }
.LBB2_10:
0x190: {  	s11 =	sadd.s32 $0x2, s11;
	[tilespmem:s3+$0x0] =	vst v2;
	s28 =	sadd.s32 $0x20, s28;
	s25 =	sadd.s32 $0x20, s25  }
0x191: {  	s3 =	smov.u32 s12;
	p0 =	slt.u32 s11, $0xFE;
	[tilespmem:s0+$0x0] =	vst v1;
	s0 =	smov.u32 s13  }
0x192: {  	[tilespmem:s29+$0x0] =	vst v0;
	s29 =	smov.u32 s16  }
0x193: {  	v0 =	vld [tilespmem:s25+$0xFFFFFFF0]  }
0x194: {  	v1 =	vld [tilespmem:s28+$0xFFFFFFF0];
	_ =	sdelay $0x3  }
0x195: {  	v0 =	vmul.f32 $2.048000000e+03, v0  }
0x196: {  	v1 =	vmul.f32 $2.048000000e+03, v1  }
0x197: {  	v2 =	vtrunc.f32 v0  }
0x198: {  	v3 =	vtrunc.f32 v1;
	v2 =	vcvt.f32.s32 v2  }
0x199: {  	v3 =	vcvt.f32.s32 v3  }
0x19a: {  	v4 =	vcvt.s32.f32 v2;
	vm0 =	vlt.s32 v2, $0x7FF;
	vm1 =	vlt.s32 v2, $0x7FE  }
0x19b: {  	vm2 =	vlt.s32 v3, $0x7FF;
	v5 =	vnsel vm0, $0x7FF, v2;
	v2 =	vnsel vm1, $0x7FE, v2  }
0x19c: {  	vm0 =	vlt.s32 v3, $0x7FE;
	v6 =	vnsel vm2, $0x7FF, v3;
	v5 =	vshll.u32 v5, $0xB  }
0x19d: {  	v7 =	vnsel vm0, $0x7FE, v3;
	v2 =	vshll.u32 v2, $0xB;
	v8 =	vadd.s32 v6, v5  }
0x19e: {  	v3 =	vcvt.s32.f32 v3;
	v7 =	vadd.s32 $0x1, v7;
	v2 =	vadd.s32 $0x800, v2;
	[tilespmem:s20+$0xFFFFFFF0] =	vst v8  }
0x19f: {  	v5 =	vadd.s32 v7, v5;
	v6 =	vadd.s32 v6, v2;
	v2 =	vadd.s32 v7, v2  }
0x1a0: {  	v0 =	vsub.f32 v0, v4;
	v1 =	vsub.f32 v1, v3;
	[tilespmem:s8+$0xFFFFFFF0] =	vst v5  }
0x1a1: {  	[tilespmem:s26+$0xFFFFFFF0] =	vst v6  }
0x1a2: {  	[tilespmem:s12+$0xFFFFFFF0] =	vst v2  }
0x1a3: {  	[tilespmem:s13+$0xFFFFFFF0] =	vst v1  }
0x1a4: {  	[tilespmem:s16+$0xFFFFFFF0] =	vst v0  }
0x1a5: {  	v0 =	vld [tilespmem:s28+$0x0]  }
0x1a6: {  	v1 =	vld [tilespmem:s25+$0x0];
	_ =	sdelay $0x3  }
0x1a7: {  	v0 =	vmul.f32 $2.048000000e+03, v0  }
0x1a8: {  	v2 =	vmul.f32 $2.048000000e+03, v1  }
0x1a9: {  	v1 =	vtrunc.f32 v0  }
0x1aa: {  	v1 =	vcvt.f32.s32 v1;
	v3 =	vtrunc.f32 v2  }
0x1ab: {  	v3 =	vcvt.f32.s32 v3  }
0x1ac: {  	v4 =	vcvt.s32.f32 v1;
	vm0 =	vlt.s32 v1, $0x7FF;
	vm1 =	vlt.s32 v1, $0x7FE  }
0x1ad: {  	v5 =	vnsel vm0, $0x7FF, v1;
	vm0 =	vlt.s32 v3, $0x7FF;
	v1 =	vnsel vm1, $0x7FE, v1  }
0x1ae: {  	v6 =	vnsel vm0, $0x7FF, v3;
	v7 =	vadd.s32 $0x1, v1;
	vm0 =	vlt.s32 v3, $0x7FE  }
.Ltmp4:
0x1af: {  	v8 =	vcvt.s32.f32 v3;
	v1 =	vnsel vm0, $0x7FE, v3;
	v3 =	vshll.u32 v6, $0xB;
	(pc) =	sbr.rel @p0 .LBB2_10-.Ltmp4, $4  }
0x1b0: {  	v6 =	vshll.u32 v1, $0xB;
	v9 =	vadd.s32 v5, v3;
	v3 =	vadd.s32 v7, v3  }
0x1b1: {  	v1 =	vsub.f32 v0, v4;
	v0 =	vsub.f32 v2, v8;
	v2 =	vadd.s32 $0x800, v6;
	[tilespmem:s20+$0x0] =	vst v9  }
0x1b2: {  	s12 =	sadd.s32 $0x20, s12;
	s13 =	sadd.s32 $0x20, s13;
	s16 =	sadd.s32 $0x20, s16;
	[tilespmem:s8+$0x0] =	vst v3;
	v3 =	vadd.s32 v5, v2;
	v2 =	vadd.s32 v7, v2  }
0x1b3: {  	s20 =	sadd.s32 $0x20, s20;
	s8 =	sadd.s32 $0x20, s8;
	[tilespmem:s26+$0x0] =	vst v3;
	s26 =	sadd.s32 $0x20, s26  }
0x1b4: {  	[tilespmem:s3+$0x0] =	vst v2  }
0x1b5: {  	[tilespmem:s0+$0x0] =	vst v1  }
0x1b6: {  	s13 =	simm.s32 $0x6000;
	s16 =	simm.s32 $0xE000;
	[tilespmem:s29+$0x0] =	vst v0  }
0x1b7: {  	[tilespmem:s16], [sflag:$0x1] =	stream.indirect.gather [hbm4b:s6+s15], $0x1, s13, s15, $0xb8;
	[tilespmem:$0x1D000] =	vst v63  }
0x1b8: {  	s20 =	simm.s32 $0x7000;
	s8 =	simm.s32 $0xF000  }
0x1b9: {  	[tilespmem:s8], [sflag:$0x1] =	stream.indirect.gather [hbm4b:s6+s15], $0x1, s20, s15, $0xb8;
	[tilespmem:$0x1D000] =	vst v63  }
0x1ba: {  	s25 =	simm.s32 $0x8000;
	s26 =	simm.s32 $0x10000  }
0x1bb: {  	[tilespmem:s26], [sflag:$0x1] =	stream.indirect.gather [hbm4b:s6+s15], $0x1, s25, s15, $0xb8;
	[tilespmem:$0x1D000] =	vst v63  }
0x1bc: {  	s28 =	simm.s32 $0x9000;
	s11 =	simm.s32 $0x11000  }
0x1bd: {  	[tilespmem:s11], [sflag:$0x1] =	stream.indirect.gather [hbm4b:s6+s15], $0x1, s28, s15, $0xb8;
	[tilespmem:$0x1D000] =	vst v63  }
0x1be: {  	s29 =	simm.s32 $0x16000  }
0x1bf: {  	[tilespmem:s29], [sflag:$0x1] =	stream.indirect.gather [hbm4b:s1+s15], $0x1, s13, s15, $0xb8;
	[tilespmem:$0x1D000] =	vst v63  }
0x1c0: {  	s30 =	simm.s32 $0x17000  }
0x1c1: {  	[tilespmem:s30], [sflag:$0x1] =	stream.indirect.gather [hbm4b:s1+s15], $0x1, s25, s15, $0xb8;
	[tilespmem:$0x1D000] =	vst v63  }
.LBB2_12:
0x1c2: {  	_ =	swait.ge [sflag:s22], $0x1000  }
0x1c3: {  	[sflag:s22] =	ssyncset.done $0x0  }
0x1c4: {  	[sflag:s22] =	ssyncadd.s32 $0xFFFFF000  }
0x1c5: {  	_ =	swait.ge [sflag:s22], $0x1000  }
0x1c6: {  	[sflag:s22] =	ssyncset.done $0x0  }
0x1c7: {  	[sflag:s22] =	ssyncadd.s32 $0xFFFFF000  }
0x1c8: {  	_ =	swait.ge [sflag:s22], $0x1000  }
0x1c9: {  	[sflag:s22] =	ssyncset.done $0x0  }
0x1ca: {  	[sflag:s22] =	ssyncadd.s32 $0xFFFFF000  }
0x1cb: {  	_ =	swait.ge [sflag:s22], $0x1000  }
0x1cc: {  	[sflag:s22] =	ssyncset.done $0x0  }
0x1cd: {  	[sflag:s22] =	ssyncadd.s32 $0xFFFFF000  }
0x1ce: {  	_ =	swait.ge [sflag:s22], $0x1000  }
0x1cf: {  	[sflag:s22] =	ssyncset.done $0x0  }
0x1d0: {  	[sflag:s22] =	ssyncadd.s32 $0xFFFFF000  }
0x1d1: {  	_ =	swait.ge [sflag:s22], $0x1000  }
0x1d2: {  	[sflag:s22] =	ssyncset.done $0x0  }
0x1d3: {  	s25 =	simm.s32 $0x0;
	[sflag:s22] =	ssyncadd.s32 $0xFFFFF000  }
0x1d4: {  	v0 =	vld [tilespmem:s25+$0x19000]  }
0x1d5: {  	v1 =	vld [tilespmem:s25+$0x19010]  }
0x1d6: {  	v3 =	vld [tilespmem:s25+$0x15010]  }
0x1d7: {  	v2 =	vld [tilespmem:s25+$0x14010]  }
0x1d8: {  	v4 =	vld [tilespmem:s25+$0x18010]  }
0x1d9: {  	v6 =	vld [tilespmem:s25+$0x18000]  }
0x1da: {  	v8 =	vld [tilespmem:s25+$0x13000]  }
0x1db: {  	v11 =	vld [tilespmem:s25+$0x12000]  }
0x1dc: {  	v14 =	vld [tilespmem:s25+$0x14000];
	v5 =	vshll.u32 v0, $0x10  }
0x1dd: {  	s28 =	simm.s32 $0x20;
	v18 =	vld [tilespmem:s25+$0x13010];
	v0 =	vshra.s32 v0, $0x3;
	v7 =	vshra.s32 v1, $0x3;
	v9 =	vshll.u32 v3, $0x10  }
0x1de: {  	v29 =	vld [tilespmem:s28+$0x12000];
	v10 =	vshll.u32 v2, $0x10;
	v12 =	vshra.s32 v2, $0x3;
	v13 =	vshll.u32 v4, $0x10  }
0x1df: {  	v1 =	vshll.u32 v1, $0x10;
	v4 =	vshra.s32 v4, $0x3;
	v16 =	vshra.s32 v6, $0x3  }
0x1e0: {  	v3 =	vshra.s32 v3, $0x3;
	v17 =	vshra.s32 v11, $0x3;
	v19 =	vshra.s32 v8, $0x3  }
0x1e1: {  	v20 =	vshll.u32 v14, $0x10;
	v21 =	vshll.u32 v6, $0x10;
	v11 =	vshll.u32 v11, $0x10  }
0x1e2: {  	v14 =	vshra.s32 v14, $0x3;
	v8 =	vshll.u32 v8, $0x10;
	v22 =	vshll.u32 v18, $0x10  }
0x1e3: {  	v33 =	vshra.s32 v29, $0x3;
	v5 =	vshra.s32 v5, $0x3;
	v0 =	vand.u32 $0x8FFFE000, v0  }
0x1e4: {  	v9 =	vshra.s32 v9, $0x3;
	v1 =	vshra.s32 v1, $0x3;
	v13 =	vshra.s32 v13, $0x3  }
0x1e5: {  	v7 =	vand.u32 $0x8FFFE000, v7;
	v4 =	vand.u32 $0x8FFFE000, v4;
	v10 =	vshra.s32 v10, $0x3  }
0x1e6: {  	v3 =	vand.u32 $0x8FFFE000, v3;
	v12 =	vand.u32 $0x8FFFE000, v12;
	v19 =	vand.u32 $0x8FFFE000, v19  }
0x1e7: {  	v2 =	vld [tilespmem:s25+$0x3010];
	v14 =	vand.u32 $0x8FFFE000, v14;
	v11 =	vshra.s32 v11, $0x3;
	v17 =	vand.u32 $0x8FFFE000, v17  }
0x1e8: {  	v6 =	vld [tilespmem:s25+$0x12010];
	v8 =	vshra.s32 v8, $0x3;
	v16 =	vand.u32 $0x8FFFE000, v16;
	v5 =	vand.u32 $0x8FFFE000, v5  }
0x1e9: {  	v15 =	vld [tilespmem:s25+$0x15000];
	v1 =	vand.u32 $0x8FFFE000, v1;
	v13 =	vand.u32 $0x8FFFE000, v13;
	v9 =	vand.u32 $0x8FFFE000, v9  }
0x1ea: {  	v10 =	vand.u32 $0x8FFFE000, v10;
	v3 =	vsub.f32 v3, v12;
	v4 =	vsub.f32 v4, v13  }
0x1eb: {  	v19 =	vsub.f32 v19, v17;
	v11 =	vand.u32 $0x8FFFE000, v11;
	v8 =	vand.u32 $0x8FFFE000, v8  }
0x1ec: {  	v9 =	vsub.f32 v9, v10;
	v7 =	vsub.f32 v7, v1;
	v4 =	vmul.f32 v4, v2  }
0x1ed: {  	v0 =	vsub.f32 v0, v5;
	v3 =	vmul.f32 v3, v2;
	v23 =	vshll.u32 v6, $0x10  }
0x1ee: {  	v7 =	vmul.f32 v7, v2;
	v13 =	vadd.f32 v13, v4;
	v4 =	vshll.u32 v15, $0x10  }
0x1ef: {  	v15 =	vshra.s32 v15, $0x3;
	v3 =	vadd.f32 v12, v3;
	v12 =	vshra.s32 v22, $0x3  }
0x1f0: {  	v22 =	vshra.s32 v6, $0x3;
	v6 =	vmul.f32 v9, v2;
	v9 =	vshra.s32 v18, $0x3  }
0x1f1: {  	v18 =	vshra.s32 v20, $0x3;
	v1 =	vadd.f32 v1, v7;
	v4 =	vshra.s32 v4, $0x3  }
0x1f2: {  	v15 =	vand.u32 $0x8FFFE000, v15;
	v12 =	vand.u32 $0x8FFFE000, v12;
	v22 =	vand.u32 $0x8FFFE000, v22  }
0x1f3: {  	v20 =	vld [tilespmem:s25+$0x3000];
	v9 =	vand.u32 $0x8FFFE000, v9;
	v18 =	vand.u32 $0x8FFFE000, v18;
	v6 =	vadd.f32 v10, v6  }
0x1f4: {  	v7 =	vld [tilespmem:s28+$0x14010];
	v10 =	vshra.s32 v21, $0x3;
	v21 =	vshra.s32 v23, $0x3;
	v23 =	vsub.f32 v8, v11  }
0x1f5: {  	v4 =	vand.u32 $0x8FFFE000, v4;
	v9 =	vsub.f32 v9, v22;
	v15 =	vsub.f32 v15, v14  }
0x1f6: {  	v24 =	vld [tilespmem:s28+$0x19000];
	v1 =	vsub.f32 v1, v13;
	v10 =	vand.u32 $0x8FFFE000, v10;
	v4 =	vsub.f32 v4, v18  }
0x1f7: {  	v21 =	vand.u32 $0x8FFFE000, v21;
	v16 =	vsub.f32 v16, v10;
	v9 =	vmul.f32 v9, v2  }
0x1f8: {  	v26 =	vsub.f32 v12, v21;
	v0 =	vmul.f32 v0, v20;
	v4 =	vmul.f32 v4, v20  }
0x1f9: {  	v8 =	vld [tilespmem:s25+$0x5010];
	v19 =	vmul.f32 v19, v20;
	v15 =	vmul.f32 v15, v20;
	v25 =	vshll.u32 v7, $0x10  }
0x1fa: {  	v7 =	vshra.s32 v7, $0x3;
	v16 =	vmul.f32 v16, v20;
	v22 =	vadd.f32 v22, v9  }
0x1fb: {  	v20 =	vmul.f32 v23, v20;
	v23 =	vshra.s32 v24, $0x3;
	v25 =	vshra.s32 v25, $0x3  }
0x1fc: {  	v12 =	vld [tilespmem:s28+$0x18000];
	v7 =	vand.u32 $0x8FFFE000, v7;
	v2 =	vmul.f32 v26, v2;
	v0 =	vadd.f32 v5, v0  }
0x1fd: {  	v9 =	vld [tilespmem:s28+$0x18010];
	v18 =	vadd.f32 v18, v4;
	v4 =	vshll.u32 v24, $0x10;
	v14 =	vadd.f32 v14, v15  }
0x1fe: {  	v5 =	vld [tilespmem:s28+$0x19010];
	v17 =	vadd.f32 v17, v19;
	v19 =	vand.u32 $0x8FFFE000, v23;
	v1 =	vmul.f32 v1, v8  }
0x1ff: {  	v24 =	vld [tilespmem:s25+$0x5000];
	v25 =	vand.u32 $0x8FFFE000, v25;
	v10 =	vadd.f32 v10, v16;
	v20 =	vadd.f32 v11, v20  }
0x200: {  	v16 =	vld [tilespmem:s28+$0x15010];
	v4 =	vshra.s32 v4, $0x3;
	v3 =	vsub.f32 v3, v22;
	v1 =	vadd.f32 v1, v13  }
0x201: {  	v14 =	vsub.f32 v14, v17;
	v32 =	vshra.s32 v12, $0x3;
	v0 =	vsub.f32 v0, v10  }
0x202: {  	v27 =	vshll.u32 v9, $0x10;
	v9 =	vshra.s32 v9, $0x3;
	v35 =	vmul.f32 $5.192296860e+33, v1  }
0x203: {  	v15 =	vshra.s32 v5, $0x3;
	v28 =	vshll.u32 v5, $0x10;
	v5 =	vand.u32 $0x8FFFE000, v4  }
0x204: {  	v36 =	vld [tilespmem:s28+$0x13010];
	v27 =	vshra.s32 v27, $0x3;
	v30 =	vmul.f32 v0, v24;
	v9 =	vand.u32 $0x8FFFE000, v9  }
0x205: {  	v0 =	vld [tilespmem:s28+$0x3010];
	v14 =	vmul.f32 v14, v24;
	v23 =	vshll.u32 v16, $0x10;
	v4 =	vshra.s32 v28, $0x3  }
0x206: {  	v28 =	vld [tilespmem:s28+$0x13000];
	v27 =	vand.u32 $0x8FFFE000, v27;
	v31 =	vand.u32 $0x8FFFE000, v15;
	v13 =	vshra.s32 v16, $0x3  }
0x207: {  	v15 =	vld [tilespmem:s28+$0x14000];
	v23 =	vshra.s32 v23, $0x3;
	v4 =	vand.u32 $0x8FFFE000, v4;
	v9 =	vsub.f32 v9, v27  }
0x208: {  	v16 =	vld [tilespmem:s28+$0x15000];
	v13 =	vand.u32 $0x8FFFE000, v13;
	v10 =	vadd.f32 v30, v10;
	v17 =	vadd.f32 v14, v17  }
0x209: {  	v14 =	vsub.f32 v18, v20;
	v18 =	vshll.u32 v29, $0x10;
	v13 =	vsub.f32 v13, v7  }
0x20a: {  	v23 =	vand.u32 $0x8FFFE000, v23;
	v31 =	vsub.f32 v31, v4;
	v29 =	vmul.f32 $5.192296860e+33, v10  }
0x20b: {  	v10 =	vshll.u32 v36, $0x10;
	v9 =	vmul.f32 v9, v0;
	v13 =	vmul.f32 v13, v0  }
0x20c: {  	v30 =	vshra.s32 v28, $0x3;
	v34 =	vshll.u32 v15, $0x10;
	v28 =	vshll.u32 v28, $0x10  }
0x20d: {  	v26 =	vld [tilespmem:s28+$0x12010];
	v1 =	vadd.f32 v27, v9;
	v11 =	vand.u32 $0x8FFFE000, v30;
	v9 =	vshll.u32 v16, $0x10  }
0x20e: {  	v27 =	vshll.u32 v12, $0x10;
	v16 =	vshra.s32 v16, $0x3;
	v9 =	vshra.s32 v9, $0x3  }
0x20f: {  	v12 =	vand.u32 $0x8FFFE000, v9;
	v9 =	vshra.s32 v15, $0x3;
	v15 =	vadd.f32 v21, v2  }
0x210: {  	v2 =	vadd.f32 v7, v13;
	v7 =	vshra.s32 v18, $0x3;
	v13 =	vshra.s32 v10, $0x3  }
0x211: {  	v10 =	vand.u32 $0x8FFFE000, v33;
	v21 =	vsub.f32 v23, v25;
	v23 =	vmul.f32 v14, v24  }
0x212: {  	v18 =	vand.u32 $0x8FFFE000, v16;
	v14 =	vshra.s32 v26, $0x3;
	v24 =	vshll.u32 v26, $0x10  }
0x213: {  	v26 =	vmul.f32 $5.192296860e+33, v17;
	v17 =	vshra.s32 v28, $0x3;
	v28 =	vshra.s32 v36, $0x3  }
0x214: {  	[tilespmem:s25+$0x1C010] =	vst v35;
	v9 =	vand.u32 $0x8FFFE000, v9;
	v16 =	vsub.f32 v11, v10;
	v11 =	vand.u32 $0x8FFFE000, v13  }
0x215: {  	[tilespmem:s25+$0x1C000] =	vst v29;
	v13 =	vmul.f32 v3, v8;
	v14 =	vand.u32 $0x8FFFE000, v14;
	v7 =	vand.u32 $0x8FFFE000, v7  }
0x216: {  	v30 =	vand.u32 $0x8FFFE000, v17;
	v17 =	vshra.s32 v24, $0x3;
	v24 =	vand.u32 $0x8FFFE000, v32;
	[tilespmem:s25+$0x1B000] =	vst v26  }
0x217: {  	v3 =	vmul.f32 v21, v0;
	v21 =	vadd.f32 v23, v20;
	v26 =	vsub.f32 v19, v5;
	v19 =	vld [tilespmem:s28+$0x3000]  }
0x218: {  	v20 =	vshra.s32 v34, $0x3;
	v29 =	vsub.f32 v6, v15;
	v23 =	vadd.f32 v13, v22  }
0x219: {  	v13 =	vshra.s32 v27, $0x3;
	v20 =	vand.u32 $0x8FFFE000, v20;
	v22 =	vsub.f32 v30, v7  }
0x21a: {  	v3 =	vadd.f32 v25, v3;
	v13 =	vand.u32 $0x8FFFE000, v13;
	v25 =	vand.u32 $0x8FFFE000, v28  }
0x21b: {  	s29 =	simm.s32 $0x2;
	s0 =	simm.s32 $0x100;
	v6 =	vld [tilespmem:s28+$0x5000];
	v28 =	vmul.f32 v29, v8;
	v27 =	vsub.f32 v24, v13;
	v24 =	vmul.f32 v31, v0  }
.LBB2_13:
0x21c: {  	s3 =	sshra.s32 s0, $0x2;
	s29 =	sadd.s32 $0x2, s29;
	v26 =	vmul.f32 v26, v19;
	v8 =	vld [tilespmem:s28+$0x5010];
	v25 =	vsub.f32 v25, v14;
	v23 =	vmul.f32 $5.192296860e+33, v23  }
0x21d: {  	v12 =	vsub.f32 v12, v20;
	v29 =	vld [tilespmem:s3+$0x18010];
	p0 =	slt.u32 s29, $0xFE;
	v27 =	vmul.f32 v27, v19;
	v15 =	vadd.f32 v28, v15  }
0x21e: {  	v18 =	vsub.f32 v18, v9;
	v21 =	vmul.f32 $5.192296860e+33, v21;
	v28 =	vld [tilespmem:s3+$0x19000];
	v5 =	vadd.f32 v5, v26;
	[tilespmem:s25+$0x1B010] =	vst v23  }
0x21f: {  	v23 =	vld [tilespmem:s3+$0x19010];
	v26 =	vadd.f32 v13, v27;
	v13 =	vmul.f32 v25, v0;
	v15 =	vmul.f32 $5.192296860e+33, v15  }
0x220: {  	v16 =	vmul.f32 v16, v19;
	v4 =	vadd.f32 v4, v24;
	v12 =	vmul.f32 v12, v19;
	v25 =	vld [tilespmem:s3+$0x15010];
	[tilespmem:s25+$0x1A000] =	vst v21  }
0x221: {  	v18 =	vmul.f32 v18, v19;
	v21 =	vld [tilespmem:s3+$0x14010];
	v24 =	vsub.f32 v5, v26;
	v13 =	vadd.f32 v14, v13;
	[tilespmem:s25+$0x1A010] =	vst v15;
	s25 =	smov.u32 s28;
	s28 =	smov.u32 s3  }
0x222: {  	v4 =	vsub.f32 v4, v1;
	v12 =	vadd.f32 v20, v12;
	v15 =	vmul.f32 v22, v19;
	v14 =	vld [tilespmem:s28+$0x18000]  }
0x223: {  	v9 =	vadd.f32 v9, v18;
	v19 =	vld [tilespmem:s28+$0x15000];
	v5 =	vshll.u32 v28, $0x10;
	v20 =	vshra.s32 v28, $0x3  }
0x224: {  	v10 =	vadd.f32 v10, v16;
	v18 =	vld [tilespmem:s28+$0x14000];
	v5 =	vshra.s32 v5, $0x3;
	v22 =	vshra.s32 v23, $0x3  }
0x225: {  	v17 =	vand.u32 $0x8FFFE000, v17;
	v20 =	vand.u32 $0x8FFFE000, v20;
	v16 =	vld [tilespmem:s28+$0x13000];
	v27 =	vshll.u32 v25, $0x10  }
0x226: {  	v11 =	vsub.f32 v11, v17;
	v28 =	vld [tilespmem:s28+$0x12000];
	v30 =	vshll.u32 v21, $0x10;
	v21 =	vshra.s32 v21, $0x3  }
0x227: {  	v33 =	vmul.f32 v4, v8;
	v32 =	vshll.u32 v29, $0x10;
	v23 =	vshll.u32 v23, $0x10;
	v31 =	vld [tilespmem:s28+$0x13010]  }
0x228: {  	v5 =	vand.u32 $0x8FFFE000, v5;
	v4 =	vshra.s32 v23, $0x3;
	v27 =	vshra.s32 v27, $0x3;
	v34 =	vld [tilespmem:s28+$0x12010]  }
0x229: {  	v24 =	vmul.f32 v24, v6;
	v23 =	vshra.s32 v32, $0x3;
	v4 =	vand.u32 $0x8FFFE000, v4  }
0x22a: {  	v9 =	vsub.f32 v9, v10;
	v22 =	vand.u32 $0x8FFFE000, v22;
	v23 =	vand.u32 $0x8FFFE000, v23;
	v32 =	vld [tilespmem:s28+$0x3010]  }
0x22b: {  	v29 =	vshra.s32 v29, $0x3;
	v1 =	vadd.f32 v33, v1;
	v30 =	vshra.s32 v30, $0x3  }
0x22c: {  	v29 =	vand.u32 $0x8FFFE000, v29;
	v25 =	vshra.s32 v25, $0x3;
	v33 =	vshra.s32 v14, $0x3  }
0x22d: {  	v9 =	vmul.f32 v9, v6;
	v29 =	vsub.f32 v29, v23;
	v35 =	vshra.s32 v28, $0x3  }
0x22e: {  	v24 =	vadd.f32 v24, v26;
	v25 =	vand.u32 $0x8FFFE000, v25;
	v27 =	vand.u32 $0x8FFFE000, v27  }
0x22f: {  	v36 =	vadd.f32 v9, v10;
	v26 =	vshra.s32 v16, $0x3;
	v29 =	vmul.f32 v29, v32  }
0x230: {  	v9 =	vmul.f32 $5.192296860e+33, v1;
	v30 =	vand.u32 $0x8FFFE000, v30;
	v37 =	vshll.u32 v18, $0x10  }
0x231: {  	v7 =	vadd.f32 v7, v15;
	v10 =	vand.u32 $0x8FFFE000, v21;
	v1 =	vadd.f32 v23, v29  }
0x232: {  	v15 =	vshll.u32 v19, $0x10;
	v21 =	vand.u32 $0x8FFFE000, v26;
	v26 =	vshll.u32 v14, $0x10;
	[tilespmem:s25+$0x1C010] =	vst v9  }
0x233: {  	v14 =	vsub.f32 v25, v10;
	v23 =	vsub.f32 v12, v7;
	v9 =	vshra.s32 v15, $0x3  }
0x234: {  	v25 =	vshll.u32 v28, $0x10;
	v12 =	vand.u32 $0x8FFFE000, v9;
	v9 =	vmul.f32 v11, v0;
	v0 =	vmovc v32  }
0x235: {  	v11 =	vshra.s32 v18, $0x3;
	v18 =	vmul.f32 $5.192296860e+33, v24;
	v14 =	vmul.f32 v14, v0  }
0x236: {  	v24 =	vshll.u32 v16, $0x10;
	v16 =	vshll.u32 v31, $0x10;
	v15 =	vadd.f32 v17, v9  }
0x237: {  	v9 =	vand.u32 $0x8FFFE000, v11;
	v11 =	vshra.s32 v19, $0x3;
	v14 =	vadd.f32 v10, v14;
	[tilespmem:s25+$0x1C000] =	vst v18  }
0x238: {  	v17 =	vshra.s32 v25, $0x3;
	v19 =	vshra.s32 v16, $0x3;
	v25 =	vsub.f32 v2, v13  }
0x239: {  	v27 =	vsub.f32 v27, v30;
	v6 =	vmul.f32 v23, v6;
	v10 =	vand.u32 $0x8FFFE000, v35;
	v2 =	vmovc v14  }
0x23a: {  	v18 =	vand.u32 $0x8FFFE000, v11;
	v16 =	vsub.f32 v21, v10;
	v14 =	vshra.s32 v34, $0x3  }
0x23b: {  	v28 =	vshll.u32 v34, $0x10;
	v11 =	vand.u32 $0x8FFFE000, v19;
	v23 =	vmul.f32 v25, v8  }
0x23c: {  	v19 =	vmul.f32 v27, v0;
	v25 =	vmul.f32 $5.192296860e+33, v36;
	v14 =	vand.u32 $0x8FFFE000, v14  }
0x23d: {  	v24 =	vshra.s32 v24, $0x3;
	v27 =	vshra.s32 v31, $0x3;
	v21 =	vadd.f32 v6, v7  }
0x23e: {  	v7 =	vand.u32 $0x8FFFE000, v17;
	v6 =	vshra.s32 v37, $0x3;
	v29 =	vadd.f32 v30, v19;
	[tilespmem:s25+$0x1B000] =	vst v25  }
.Ltmp5:
0x23f: {  	v24 =	vand.u32 $0x8FFFE000, v24;
	v30 =	vsub.f32 v22, v4;
	v23 =	vadd.f32 v23, v13;
	v19 =	vld [tilespmem:s28+$0x3000];
	(pc) =	sbr.rel @p0 .LBB2_13-.Ltmp5, $4  }
0x240: {  	v17 =	vshra.s32 v28, $0x3;
	v28 =	vsub.f32 v3, v15;
	v13 =	vshra.s32 v26, $0x3;
	v3 =	vmovc v29  }
0x241: {  	v26 =	vsub.f32 v20, v5;
	v13 =	vand.u32 $0x8FFFE000, v13;
	v25 =	vand.u32 $0x8FFFE000, v27  }
0x242: {  	v20 =	vand.u32 $0x8FFFE000, v6;
	v22 =	vsub.f32 v24, v7;
	v27 =	vand.u32 $0x8FFFE000, v33  }
0x243: {  	s0 =	sadd.s32 $0x80, s0;
	v28 =	vmul.f32 v28, v8;
	v24 =	vmul.f32 v30, v0;
	v27 =	vsub.f32 v27, v13;
	v6 =	vld [tilespmem:s28+$0x5000]  }
0x244: {  	v8 =	vmul.f32 v26, v19;
	v25 =	vsub.f32 v25, v14  }
0x245: {  	v12 =	vsub.f32 v12, v20;
	v23 =	vmul.f32 $5.192296860e+33, v23;
	v18 =	vsub.f32 v18, v9  }
0x246: {  	v50 =	vmul.f32 $5.192296860e+33, v21;
	v16 =	vmul.f32 v16, v19;
	v17 =	vand.u32 $0x8FFFE000, v17  }
0x247: {  	v53 =	vmul.f32 v22, v19;
	v15 =	vadd.f32 v28, v15;
	v4 =	vadd.f32 v4, v24  }
0x248: {  	v52 =	vld [tilespmem:s28+$0x5010];
	v49 =	vmul.f32 v27, v19;
	v11 =	vsub.f32 v11, v17;
	v5 =	vadd.f32 v5, v8  }
0x249: {  	v51 =	vmul.f32 v25, v0;
	v18 =	vmul.f32 v18, v19;
	v10 =	vadd.f32 v10, v16  }
0x24a: {  	v12 =	vmul.f32 v12, v19;
	v7 =	vadd.f32 v7, v53;
	v13 =	vadd.f32 v13, v49  }
0x24b: {  	v15 =	vmul.f32 $5.192296860e+33, v15;
	v4 =	vsub.f32 v4, v1;
	v54 =	vadd.f32 v9, v18  }
0x24c: {  	v56 =	vmul.f32 v11, v0;
	v55 =	vadd.f32 v14, v51;
	v5 =	vsub.f32 v5, v13  }
0x24d: {  	v12 =	vadd.f32 v20, v12;
	v4 =	vmul.f32 v4, v52;
	v9 =	vsub.f32 v54, v10  }
0x24e: {  	v0 =	vadd.f32 v17, v56;
	v2 =	vsub.f32 v2, v55;
	v5 =	vmul.f32 v5, v6  }
0x24f: {  	v59 =	vsub.f32 v12, v7;
	v57 =	vadd.f32 v4, v1;
	v58 =	vmul.f32 v9, v6  }
0x250: {  	[tilespmem:s25+$0x1B010] =	vst v23;
	v3 =	vsub.f32 v3, v0;
	v2 =	vmul.f32 v2, v52;
	v5 =	vadd.f32 v5, v13  }
0x251: {  	[tilespmem:s25+$0x1A000] =	vst v50;
	v60 =	vmul.f32 v59, v6;
	v1 =	vmul.f32 $5.192296860e+33, v57;
	v4 =	vadd.f32 v58, v10  }
0x252: {  	[tilespmem:s25+$0x1A010] =	vst v15;
	v3 =	vmul.f32 v3, v52;
	v2 =	vadd.f32 v2, v55;
	v5 =	vmul.f32 $5.192296860e+33, v5  }
0x253: {  	v62 =	vadd.f32 v60, v7;
	[tilespmem:s28+$0x1C010] =	vst v1;
	v61 =	vmul.f32 $5.192296860e+33, v4  }
0x254: {  	v0 =	vadd.f32 v3, v0;
	v2 =	vmul.f32 $5.192296860e+33, v2;
	[tilespmem:s28+$0x1C000] =	vst v5  }
0x255: {  	v63 =	vmul.f32 $5.192296860e+33, v62;
	[tilespmem:s28+$0x1B000] =	vst v61  }
0x256: {  	v0 =	vmul.f32 $5.192296860e+33, v0;
	[tilespmem:s28+$0x1B010] =	vst v2  }
0x257: {  	[tilespmem:s28+$0x1A000] =	vst v63  }
0x258: {  	s0 =	sadd.s32 s7, s24;
	[tilespmem:s28+$0x1A010] =	vst v0  }
0x259: {  	[hbm4b:s0+s2] =	stream.linear.scatter [tilespmem:s18], [sflag:$0x3], $0x1000, $0x38;
	[tilespmem:$0x1D000] =	vst v63  }
0x25a: {  	_ =	swait.ge [sflag:s14], $0x1000  }
0x25b: {  	[sflag:s14] =	ssyncset.done $0x0  }
0x25c: {  	s29 =	sadd.s32 s9, s24;
	[sflag:s14] =	ssyncadd.s32 $0xFFFFF000  }
0x25d: {  	[hbm4b:s29+s2] =	stream.linear.scatter [tilespmem:s19], [sflag:$0x3], $0x1000, $0x38;
	[tilespmem:$0x1D000] =	vst v63  }
0x25e: {  	s23 =	sadd.s32 $0x1, s23;
	_ =	swait.ge [sflag:s14], $0x1000  }
0x25f: {  	p0 =	sne.s32 s23, $0x4;
	[sflag:s14] =	ssyncset.done $0x0  }
.Ltmp6:
0x260: {  	s30 =	sadd.s32 s10, s24;
	[sflag:s14] =	ssyncadd.s32 $0xFFFFF000;
	(pc) =	sbr.rel @p0 .LBB2_4-.Ltmp6, $4  }
0x261: {  	[hbm4b:s30+s2] =	stream.linear.scatter [tilespmem:s21], [sflag:$0x3], $0x1000, $0x38;
	[tilespmem:$0x1D000] =	vst v63  }
0x262: {  	_ =	swait.ge [sflag:s14], $0x1000  }
0x263: {  	[sflag:s14] =	ssyncset.done $0x0  }
0x264: {  	[sflag:s14] =	ssyncadd.s32 $0xFFFFF000  }
0x265: {  	s3 =	rddreg [dreg:$0x7]  }
0x266: {  	s0 =	rddreg [dreg:$0x6];
	s3 =	sadd.s32 $0x1, s3  }
0x267: {  	p0 =	sne.s32 s3, s0  }
.Ltmp7:
0x268: {  	_ = 	snop;
	(pc) =	sbr.rel @p0 .LBB2_1-.Ltmp7, $1  }
0x269: {  	_ =	sdelay $0x3  }
0x26a: {  	_ =	sfence.sel $0x180000  }
0x26b: {  	[bflag:$0x0] =	sbarrier.arrive $0xFFFF  }
0x26c: {  	_ =	strace $0x90000047  }
0x26d: {  	s0 =	stileid.u32;
	[bflag:$0x2] =	sbarrier.arrive $0xFFFF  }
0x26e: {  	p0 =	sne.s32 s0, $0x0;
	s0 =	rddreg [dreg:$0x2]  }
0x26f: {  	s0 =	sadd.s32 @!p0 $0x100000, s0  }
0x270: {  	[sflag:s0] =	ssyncadd.tile.s32 @!p0 $0x1;
	_ =	shalt  }
.Lfunc_end2:
_tile_overlayer_lowered:
.L_overlay_start_2:
0x271: {  	(tag) =	ssettag $0x2  }
0x272: {  	s0 =	rddreg [dreg:$0x0];
	s2 =	stileid.u32  }
0x273: {  	s1 =	rddreg [dreg:$0x1];
	p0 =	sne.s32 s2, $0x0  }
0x274: {  	s3 =	rddreg [dreg:$0x2];
	[bflag:$0x3] =	sbarrier.arrive $0xFFFF;
	s2 =	simm.s32 @!p0 $0x1C03  }
0x275: {  	[timem:s3], [sflag:s2] =	dma.local @!p0 [hbm:s0], s1  }
0x276: {  	s0 =	simm.s32 @!p0 $0x3  }
0x277: {  	_ =	swait.ge @!p0 [sflag:s0], s1  }
0x278: {  	s1 =	ssub.s32 @!p0 $0x0, s1;
	[sflag:s0] =	ssyncset.done @!p0 $0x0  }
0x279: {  	[sflag:s0] =	ssyncadd.s32 @!p0 s1  }
0x27a: {  	[bflag:$0x3] =	sbarrier.arrive $0xFFFF  }
0x27b: {  	_ =	shalt  }

</sc_bundles>
